<compile_context>
chip_gen: v7x
topology: tpu7x:2x2x1
jax: 0.10.2.dev20260603
libtpu: 0.0.44.dev20260713+nightly
codegen_flags: <defaults>
</compile_context>

<pallas_src>
import functools

import jax
import jax.numpy as jnp
from jax import lax
from jax.experimental import pallas as pl
from jax.experimental.pallas import tpu as pltpu
from jax.experimental.pallas import tpu_sc as plsc

_R = 128
_N = 32768
_NC = 2
_NS = 16
_NW = _NC * _NS
_RPW = _R // _NW
_CHUNK = 4096
_NCH = _N // _CHUNK
_VPB = _CHUNK // 16


def _sc_body(x_hbm, o_hbm, in_v, out_v, in_s0, in_s1, out_s0, out_s1):
    wid = lax.axis_index("s") * _NC + lax.axis_index("c")
    rows = pl.ds(wid * _RPW, _RPW)
    in_sems = (in_s0, in_s1)
    out_sems = (out_s0, out_s1)
    idx15 = jnp.full((16,), 15, jnp.int32)

    def cols(k):
        return pl.ds((_NCH - 1 - k) * _CHUNK, _CHUNK)

    def start_in(k, b):
        pltpu.async_copy(x_hbm.at[rows, cols(k)], in_v.at[b], in_sems[b])

    def wait_in(k, b):
        pltpu.make_async_copy(x_hbm.at[rows, cols(k)], in_v.at[b], in_sems[b]).wait()

    def start_out(k, b):
        pltpu.async_copy(out_v.at[b], o_hbm.at[rows, cols(k)], out_sems[b])

    def wait_out(k, b):
        pltpu.make_async_copy(out_v.at[b], o_hbm.at[rows, cols(k)], out_sems[b]).wait()

    def compute(b, carries):
        def body(i, cs):
            v = _VPB - 1 - i
            sl = pl.ds(v * 16, 16)
            new = []
            for r in range(_RPW):
                xv = in_v[b, r, sl]
                s = plsc.cumsum(xv)
                c = cs[r] + jnp.take_along_axis(s, idx15, axis=0)
                out_v[b, r, sl] = (xv - s) + c
                new.append(c)
            return tuple(new)

        return lax.fori_loop(0, _VPB, body, carries)

    start_in(0, 0)
    carries = tuple(jnp.zeros((16,), jnp.float32) for _ in range(_RPW))

    def trip(t, carries):
        k0 = 2 * t
        k1 = k0 + 1
        start_in(k1, 1)
        wait_in(k0, 0)

        @pl.when(t > 0)
        def _():
            wait_out(k0 - 2, 0)

        carries = compute(0, carries)
        start_out(k0, 0)

        @pl.when(t < _NCH // 2 - 1)
        def _():
            start_in(k1 + 1, 0)

        wait_in(k1, 1)

        @pl.when(t > 0)
        def _():
            wait_out(k1 - 2, 1)

        carries = compute(1, carries)
        start_out(k1, 1)
        return carries

    lax.fori_loop(0, _NCH // 2, trip, carries)
    wait_out(_NCH - 2, 0)
    wait_out(_NCH - 1, 1)


def kernel(x):
    run = functools.partial(
        pl.kernel,
        out_type=jax.ShapeDtypeStruct((_R, _N), jnp.float32),
        mesh=plsc.VectorSubcoreMesh(core_axis_name="c", subcore_axis_name="s"),
        scratch_types=[
            pltpu.VMEM((2, _RPW, _CHUNK), jnp.float32),
            pltpu.VMEM((2, _RPW, _CHUNK), jnp.float32),
            pltpu.SemaphoreType.DMA,
            pltpu.SemaphoreType.DMA,
            pltpu.SemaphoreType.DMA,
            pltpu.SemaphoreType.DMA,
        ],
        compiler_params=pltpu.CompilerParams(needs_layout_passes=False),
    )(_sc_body)
    return run(x)

# --- scband reference (transcript-rebuilt; emitter-appended) ---
"""Pipeline reference for scband-model-new-23983097380969 (READ-ONLY COPY).

The authoritative reference and input builder live on the scoring server;
editing this copy changes nothing except your own understanding.
"""

import jax, jax.numpy as jnp
import numpy as np


def setup_inputs(seed: int = 0) -> dict:
    key = jax.random.key(seed)
    x = jax.random.normal(key, (128, 32768), dtype=jnp.float32)
    return {"x": x}


def reference(x):
    # Reverse (suffix) cumulative sum along dim=1, faithful to the CUDA kernel:
    # out[i, j] = sum_{k >= j} x[i, k]
    return jnp.flip(jnp.cumsum(jnp.flip(x, axis=1), axis=1), axis=1)

if __name__ == "__main__":
    import jax
    _d = setup_inputs()
    print(jax.jit(kernel)(*tuple(_d.values())))

</pallas_src>

<mosaic_0001>
#map = affine_map<(d0, d1) -> (0, 0)>
module attributes {stable_mosaic.version = 14 : i64} {
  func.func @_sc_body(%arg0: i32, %arg1: i32, %arg2: memref<128x32768xf32, #tpu.memory_space<hbm>>, %arg3: memref<128x32768xf32, #tpu.memory_space<hbm>>, %arg4: memref<2x4x4096xf32, #tpu.memory_space<vmem>>, %arg5: memref<2x4x4096xf32, #tpu.memory_space<vmem>>, %arg6: memref<!tpu.dma_semaphore, #tpu.memory_space<semaphore_mem>>, %arg7: memref<!tpu.dma_semaphore, #tpu.memory_space<semaphore_mem>>, %arg8: memref<!tpu.dma_semaphore, #tpu.memory_space<semaphore_mem>>, %arg9: memref<!tpu.dma_semaphore, #tpu.memory_space<semaphore_mem>>) attributes {dimension_semantics = [#tpu.dimension_semantics<core_parallel>, #tpu.dimension_semantics<subcore_parallel>], iteration_bounds = array<i64: 2, 16>, scalar_prefetch = 0 : i64, scratch_operands = 6 : i64, tpu.core_type = #tpu.core_type<sc_vector_subcore>, window_params = [{transform_indices = #map}, {transform_indices = #map}]} {
    %mul3A = arith.constant 2 : i32
    %mul3A_0 = arith.muli %arg1, %mul3A : i32
    %add3A = arith.addi %mul3A_0, %arg0 : i32
    %mul3A_1 = arith.constant 4 : i32
    %mul3A_2 = arith.muli %add3A, %mul3A_1 : i32
    %broadcast_in_dim3A = arith.constant 15 : i32
    %broadcast_in_dim3A_3 = vector.broadcast %broadcast_in_dim3A : i32 to vector<16xi32>
    %dma_start3A = arith.constant 0 : i32
    %dma_start3A_4 = arith.constant 0 : i32
    %dma_start3A_5 = arith.constant 0 : i32
    %dma_start3A_6 = tpu.memref_slice %arg4[%dma_start3A, %dma_start3A_4, %dma_start3A_5] : memref<2x4x4096xf32, #tpu.memory_space<vmem>> -> memref<1x4x4096xf32, #tpu.memory_space<vmem>>
    %dma_start3A_7 = tpu.memref_squeeze %dma_start3A_6 : memref<1x4x4096xf32, #tpu.memory_space<vmem>> -> memref<4x4096xf32, #tpu.memory_space<vmem>>
    %dma_start3A_8 = arith.constant 28672 : i32
    %dma_start3A_9 = tpu.memref_slice %arg2[%mul3A_2, %dma_start3A_8] : memref<128x32768xf32, #tpu.memory_space<hbm>> -> memref<4x4096xf32, #tpu.memory_space<hbm>>
    %dma_start3A_10 = arith.constant 0 : i32
    %dma_start3A_11 = arith.constant 0 : i32
    %dma_start3A_12 = tpu.memref_slice %arg4[%dma_start3A, %dma_start3A_10, %dma_start3A_11] : memref<2x4x4096xf32, #tpu.memory_space<vmem>> -> memref<1x4x4096xf32, #tpu.memory_space<vmem>>
    %dma_start3A_13 = tpu.memref_squeeze %dma_start3A_12 : memref<1x4x4096xf32, #tpu.memory_space<vmem>> -> memref<4x4096xf32, #tpu.memory_space<vmem>>
    %dma_start3A_14 = arith.constant 28672 : i32
    %dma_start3A_15 = tpu.memref_slice %arg2[%mul3A_2, %dma_start3A_14] : memref<128x32768xf32, #tpu.memory_space<hbm>> -> memref<4x4096xf32, #tpu.memory_space<hbm>>
    tpu.enqueue_dma source(%dma_start3A_15 : memref<4x4096xf32, #tpu.memory_space<hbm>>) target(%dma_start3A_13 : memref<4x4096xf32, #tpu.memory_space<vmem>>) target_semaphore(%arg6 : memref<!tpu.dma_semaphore, #tpu.memory_space<semaphore_mem>>)
    %broadcast_in_dim3A_16 = arith.constant 0.000000e+00 : f32
    %broadcast_in_dim3A_17 = vector.broadcast %broadcast_in_dim3A_16 : f32 to vector<16xf32>
    %broadcast_in_dim3A_18 = arith.constant 0.000000e+00 : f32
    %broadcast_in_dim3A_19 = vector.broadcast %broadcast_in_dim3A_18 : f32 to vector<16xf32>
    %broadcast_in_dim3A_20 = arith.constant 0.000000e+00 : f32
    %broadcast_in_dim3A_21 = vector.broadcast %broadcast_in_dim3A_20 : f32 to vector<16xf32>
    %broadcast_in_dim3A_22 = arith.constant 0.000000e+00 : f32
    %broadcast_in_dim3A_23 = vector.broadcast %broadcast_in_dim3A_22 : f32 to vector<16xf32>
    %scan3A = arith.constant 0 : i32
    %scan3A_24 = arith.constant 4 : i32
    %scan3A_25 = arith.addi %scan3A, %scan3A_24 : i32
    %scan3A_26 = arith.constant 1 : i32
    %scan3A_27:4 = scf.for %scan3A_54 = %scan3A to %scan3A_25 step %scan3A_26 iter_args(%scan3A_55 = %broadcast_in_dim3A_17, %scan3A_56 = %broadcast_in_dim3A_19, %scan3A_57 = %broadcast_in_dim3A_21, %scan3A_58 = %broadcast_in_dim3A_23) -> (vector<16xf32>, vector<16xf32>, vector<16xf32>, vector<16xf32>)  : i32 {
      %mul3A_59 = arith.constant 2 : i32
      %mul3A_60 = arith.muli %mul3A_59, %scan3A_54 : i32
      %add3A_61 = arith.constant 1 : i32
      %add3A_62 = arith.addi %mul3A_60, %add3A_61 : i32
      %sub3A = arith.constant 7 : i32
      %sub3A_63 = arith.subi %sub3A, %add3A_62 : i32
      %mul3A_64 = arith.constant 4096 : i32
      %mul3A_65 = arith.muli %sub3A_63, %mul3A_64 : i32
      %dma_start3A_66 = arith.constant 1 : i32
      %dma_start3A_67 = arith.constant 0 : i32
      %dma_start3A_68 = arith.constant 0 : i32
      %dma_start3A_69 = tpu.memref_slice %arg4[%dma_start3A_66, %dma_start3A_67, %dma_start3A_68] : memref<2x4x4096xf32, #tpu.memory_space<vmem>> -> memref<1x4x4096xf32, #tpu.memory_space<vmem>>
      %dma_start3A_70 = tpu.memref_squeeze %dma_start3A_69 : memref<1x4x4096xf32, #tpu.memory_space<vmem>> -> memref<4x4096xf32, #tpu.memory_space<vmem>>
      %dma_start3A_71 = tpu.memref_slice %arg2[%mul3A_2, %mul3A_65] : memref<128x32768xf32, #tpu.memory_space<hbm>> -> memref<4x4096xf32, #tpu.memory_space<hbm>>
      %dma_start3A_72 = arith.constant 0 : i32
      %dma_start3A_73 = arith.constant 0 : i32
      %dma_start3A_74 = tpu.memref_slice %arg4[%dma_start3A_66, %dma_start3A_72, %dma_start3A_73] : memref<2x4x4096xf32, #tpu.memory_space<vmem>> -> memref<1x4x4096xf32, #tpu.memory_space<vmem>>
      %dma_start3A_75 = tpu.memref_squeeze %dma_start3A_74 : memref<1x4x4096xf32, #tpu.memory_space<vmem>> -> memref<4x4096xf32, #tpu.memory_space<vmem>>
      %dma_start3A_76 = tpu.memref_slice %arg2[%mul3A_2, %mul3A_65] : memref<128x32768xf32, #tpu.memory_space<hbm>> -> memref<4x4096xf32, #tpu.memory_space<hbm>>
      tpu.enqueue_dma source(%dma_start3A_76 : memref<4x4096xf32, #tpu.memory_space<hbm>>) target(%dma_start3A_75 : memref<4x4096xf32, #tpu.memory_space<vmem>>) target_semaphore(%arg7 : memref<!tpu.dma_semaphore, #tpu.memory_space<semaphore_mem>>)
      %sub3A_77 = arith.constant 7 : i32
      %sub3A_78 = arith.subi %sub3A_77, %mul3A_60 : i32
      %mul3A_79 = arith.constant 4096 : i32
      %mul3A_80 = arith.muli %sub3A_78, %mul3A_79 : i32
      %dma_wait3A_81 = arith.constant 0 : i32
      %dma_wait3A_82 = arith.constant 0 : i32
      %dma_wait3A_83 = arith.constant 0 : i32
      %dma_wait3A_84 = tpu.memref_slice %arg4[%dma_wait3A_81, %dma_wait3A_82, %dma_wait3A_83] : memref<2x4x4096xf32, #tpu.memory_space<vmem>> -> memref<1x4x4096xf32, #tpu.memory_space<vmem>>
      %dma_wait3A_85 = tpu.memref_squeeze %dma_wait3A_84 : memref<1x4x4096xf32, #tpu.memory_space<vmem>> -> memref<4x4096xf32, #tpu.memory_space<vmem>>
      %dma_wait3A_86 = tpu.memref_slice %arg2[%mul3A_2, %mul3A_80] : memref<128x32768xf32, #tpu.memory_space<hbm>> -> memref<4x4096xf32, #tpu.memory_space<hbm>>
      %dma_wait3A_87 = arith.constant 0 : i32
      %dma_wait3A_88 = arith.constant 0 : i32
      %dma_wait3A_89 = tpu.memref_slice %arg4[%dma_wait3A_81, %dma_wait3A_87, %dma_wait3A_88] : memref<2x4x4096xf32, #tpu.memory_space<vmem>> -> memref<1x4x4096xf32, #tpu.memory_space<vmem>>
      %dma_wait3A_90 = tpu.memref_squeeze %dma_wait3A_89 : memref<1x4x4096xf32, #tpu.memory_space<vmem>> -> memref<4x4096xf32, #tpu.memory_space<vmem>>
      %dma_wait3A_91 = tpu.memref_slice %arg2[%mul3A_2, %mul3A_80] : memref<128x32768xf32, #tpu.memory_space<hbm>> -> memref<4x4096xf32, #tpu.memory_space<hbm>>
      tpu.wait_dma2 semaphore(%arg6 : memref<!tpu.dma_semaphore, #tpu.memory_space<semaphore_mem>>) src(%dma_wait3A_91 : memref<4x4096xf32, #tpu.memory_space<hbm>>) dst(%dma_wait3A_90 : memref<4x4096xf32, #tpu.memory_space<vmem>>)
      %gt3A = arith.constant 0 : i32
      %gt3A_92 = arith.cmpi sgt, %scan3A_54, %gt3A : i32
      %convert_element_type3A = arith.extui %gt3A_92 : i1 to i32
      %cond3A = arith.constant 0 : i32
      %cond3A_93 = arith.cmpi ne, %convert_element_type3A, %cond3A : i32
      scf.if %cond3A_93 {
        %sub3A_160 = arith.constant 2 : i32
        %sub3A_161 = arith.subi %mul3A_60, %sub3A_160 : i32
        %sub3A_162 = arith.constant 7 : i32
        %sub3A_163 = arith.subi %sub3A_162, %sub3A_161 : i32
        %mul3A_164 = arith.constant 4096 : i32
        %mul3A_165 = arith.muli %sub3A_163, %mul3A_164 : i32
        %dma_wait3A_166 = arith.constant 0 : i32
        %dma_wait3A_167 = arith.constant 0 : i32
        %dma_wait3A_168 = arith.constant 0 : i32
        %dma_wait3A_169 = tpu.memref_slice %arg5[%dma_wait3A_166, %dma_wait3A_167, %dma_wait3A_168] : memref<2x4x4096xf32, #tpu.memory_space<vmem>> -> memref<1x4x4096xf32, #tpu.memory_space<vmem>>
        %dma_wait3A_170 = tpu.memref_squeeze %dma_wait3A_169 : memref<1x4x4096xf32, #tpu.memory_space<vmem>> -> memref<4x4096xf32, #tpu.memory_space<vmem>>
        %dma_wait3A_171 = tpu.memref_slice %arg3[%mul3A_2, %mul3A_165] : memref<128x32768xf32, #tpu.memory_space<hbm>> -> memref<4x4096xf32, #tpu.memory_space<hbm>>
        %dma_wait3A_172 = tpu.memref_slice %arg3[%mul3A_2, %mul3A_165] : memref<128x32768xf32, #tpu.memory_space<hbm>> -> memref<4x4096xf32, #tpu.memory_space<hbm>>
        %dma_wait3A_173 = arith.constant 0 : i32
        %dma_wait3A_174 = arith.constant 0 : i32
        %dma_wait3A_175 = tpu.memref_slice %arg5[%dma_wait3A_166, %dma_wait3A_173, %dma_wait3A_174] : memref<2x4x4096xf32, #tpu.memory_space<vmem>> -> memref<1x4x4096xf32, #tpu.memory_space<vmem>>
        %dma_wait3A_176 = tpu.memref_squeeze %dma_wait3A_175 : memref<1x4x4096xf32, #tpu.memory_space<vmem>> -> memref<4x4096xf32, #tpu.memory_space<vmem>>
        tpu.wait_dma2 semaphore(%arg8 : memref<!tpu.dma_semaphore, #tpu.memory_space<semaphore_mem>>) src(%dma_wait3A_176 : memref<4x4096xf32, #tpu.memory_space<vmem>>) dst(%dma_wait3A_172 : memref<4x4096xf32, #tpu.memory_space<hbm>>)
      } else {
      }
      %scan3A_94 = arith.constant 0 : i32
      %scan3A_95 = arith.constant 256 : i32
      %scan3A_96 = arith.addi %scan3A_94, %scan3A_95 : i32
      %scan3A_97 = arith.constant 1 : i32
      %scan3A_98:4 = scf.for %scan3A_160 = %scan3A_94 to %scan3A_96 step %scan3A_97 iter_args(%scan3A_161 = %scan3A_55, %scan3A_162 = %scan3A_56, %scan3A_163 = %scan3A_57, %scan3A_164 = %scan3A_58) -> (vector<16xf32>, vector<16xf32>, vector<16xf32>, vector<16xf32>)  : i32 {
        %sub3A_165 = arith.constant 255 : i32
        %sub3A_166 = arith.subi %sub3A_165, %scan3A_160 : i32
        %mul3A_167 = arith.constant 16 : i32
        %mul3A_168 = arith.muli %sub3A_166, %mul3A_167 : i32
        %get3A = arith.constant 0 : i32
        %get3A_169 = arith.constant 0 : i32
        %get3A_170 = arith.index_cast %get3A : i32 to index
        %get3A_171 = arith.index_cast %get3A_169 : i32 to index
        %get3A_172 = arith.index_cast %mul3A_168 : i32 to index
        %get3A_173 = tpu.vector_load %arg4[%get3A_170, %get3A_171, %get3A_172] {strides = array<i32>} : memref<2x4x4096xf32, #tpu.memory_space<vmem>>, vector<16xf32>,
        %broadcast_in_dim3A_174 = arith.constant true
        %broadcast_in_dim3A_175 = vector.broadcast %broadcast_in_dim3A_174 : i1 to vector<16xi1>
        %masked_cumsum3A = tpu.scan <sum>, %get3A_173 masked %broadcast_in_dim3A_175 : vector<16xf32>, vector<16xi1> -> vector<16xf32>
        %lt3A_176 = arith.constant 0 : i32
        %lt3A_177 = vector.broadcast %lt3A_176 : i32 to vector<16xi32>
        %lt3A_178 = arith.cmpi slt, %broadcast_in_dim3A_3, %lt3A_177 : vector<16xi32>
        %add3A_179 = arith.constant 16 : i32
        %add3A_180 = vector.broadcast %add3A_179 : i32 to vector<16xi32>
        %add3A_181 = arith.addi %broadcast_in_dim3A_3, %add3A_180 : vector<16xi32>
        %select_n3A = arith.select %lt3A_178, %add3A_181, %broadcast_in_dim3A_3 : vector<16xi1>, vector<16xi32>
        %reshape3A = vector.shape_cast %select_n3A : vector<16xi32> to vector<16x1xi32>
        %gather3A = vector.shape_cast %reshape3A : vector<16x1xi32> to vector<16xi32>
        %gather3A_182 = tpu.dynamic_gather %masked_cumsum3A[%gather3A] in [0] : vector<16xf32>, vector<16xi32> -> vector<16xf32>
        %add3A_183 = arith.addf %scan3A_161, %gather3A_182 : vector<16xf32>
        %sub3A_184 = arith.subf %get3A_173, %masked_cumsum3A : vector<16xf32>
        %add3A_185 = arith.addf %sub3A_184, %add3A_183 : vector<16xf32>
        %swap3A = arith.constant 0 : i32
        %swap3A_186 = arith.constant 0 : i32
        %swap3A_187 = arith.index_cast %swap3A : i32 to index
        %swap3A_188 = arith.index_cast %swap3A_186 : i32 to index
        %swap3A_189 = arith.index_cast %mul3A_168 : i32 to index
        %swap3A_190 = tpu.vector_load %arg5[%swap3A_187, %swap3A_188, %swap3A_189] {strides = array<i32>} : memref<2x4x4096xf32, #tpu.memory_space<vmem>>, vector<16xf32>,
        tpu.vector_store %arg5[%swap3A_187, %swap3A_188, %swap3A_189], %add3A_185 {strides = array<i32>} : memref<2x4x4096xf32, #tpu.memory_space<vmem>>, vector<16xf32>,
        %get3A_191 = arith.constant 0 : i32
        %get3A_192 = arith.constant 1 : i32
        %get3A_193 = arith.index_cast %get3A_191 : i32 to index
        %get3A_194 = arith.index_cast %get3A_192 : i32 to index
        %get3A_195 = arith.index_cast %mul3A_168 : i32 to index
        %get3A_196 = tpu.vector_load %arg4[%get3A_193, %get3A_194, %get3A_195] {strides = array<i32>} : memref<2x4x4096xf32, #tpu.memory_space<vmem>>, vector<16xf32>,
        %broadcast_in_dim3A_197 = arith.constant true
        %broadcast_in_dim3A_198 = vector.broadcast %broadcast_in_dim3A_197 : i1 to vector<16xi1>
        %masked_cumsum3A_199 = tpu.scan <sum>, %get3A_196 masked %broadcast_in_dim3A_198 : vector<16xf32>, vector<16xi1> -> vector<16xf32>
        %lt3A_200 = arith.constant 0 : i32
        %lt3A_201 = vector.broadcast %lt3A_200 : i32 to vector<16xi32>
        %lt3A_202 = arith.cmpi slt, %broadcast_in_dim3A_3, %lt3A_201 : vector<16xi32>
        %add3A_203 = arith.constant 16 : i32
        %add3A_204 = vector.broadcast %add3A_203 : i32 to vector<16xi32>
        %add3A_205 = arith.addi %broadcast_in_dim3A_3, %add3A_204 : vector<16xi32>
        %select_n3A_206 = arith.select %lt3A_202, %add3A_205, %broadcast_in_dim3A_3 : vector<16xi1>, vector<16xi32>
        %reshape3A_207 = vector.shape_cast %select_n3A_206 : vector<16xi32> to vector<16x1xi32>
        %gather3A_208 = vector.shape_cast %reshape3A_207 : vector<16x1xi32> to vector<16xi32>
        %gather3A_209 = tpu.dynamic_gather %masked_cumsum3A_199[%gather3A_208] in [0] : vector<16xf32>, vector<16xi32> -> vector<16xf32>
        %add3A_210 = arith.addf %scan3A_162, %gather3A_209 : vector<16xf32>
        %sub3A_211 = arith.subf %get3A_196, %masked_cumsum3A_199 : vector<16xf32>
        %add3A_212 = arith.addf %sub3A_211, %add3A_210 : vector<16xf32>
        %swap3A_213 = arith.constant 0 : i32
        %swap3A_214 = arith.constant 1 : i32
        %swap3A_215 = arith.index_cast %swap3A_213 : i32 to index
        %swap3A_216 = arith.index_cast %swap3A_214 : i32 to index
        %swap3A_217 = arith.index_cast %mul3A_168 : i32 to index
        %swap3A_218 = tpu.vector_load %arg5[%swap3A_215, %swap3A_216, %swap3A_217] {strides = array<i32>} : memref<2x4x4096xf32, #tpu.memory_space<vmem>>, vector<16xf32>,
        tpu.vector_store %arg5[%swap3A_215, %swap3A_216, %swap3A_217], %add3A_212 {strides = array<i32>} : memref<2x4x4096xf32, #tpu.memory_space<vmem>>, vector<16xf32>,
        %get3A_219 = arith.constant 0 : i32
        %get3A_220 = arith.constant 2 : i32
        %get3A_221 = arith.index_cast %get3A_219 : i32 to index
        %get3A_222 = arith.index_cast %get3A_220 : i32 to index
        %get3A_223 = arith.index_cast %mul3A_168 : i32 to index
        %get3A_224 = tpu.vector_load %arg4[%get3A_221, %get3A_222, %get3A_223] {strides = array<i32>} : memref<2x4x4096xf32, #tpu.memory_space<vmem>>, vector<16xf32>,
        %broadcast_in_dim3A_225 = arith.constant true
        %broadcast_in_dim3A_226 = vector.broadcast %broadcast_in_dim3A_225 : i1 to vector<16xi1>
        %masked_cumsum3A_227 = tpu.scan <sum>, %get3A_224 masked %broadcast_in_dim3A_226 : vector<16xf32>, vector<16xi1> -> vector<16xf32>
        %lt3A_228 = arith.constant 0 : i32
        %lt3A_229 = vector.broadcast %lt3A_228 : i32 to vector<16xi32>
        %lt3A_230 = arith.cmpi slt, %broadcast_in_dim3A_3, %lt3A_229 : vector<16xi32>
        %add3A_231 = arith.constant 16 : i32
        %add3A_232 = vector.broadcast %add3A_231 : i32 to vector<16xi32>
        %add3A_233 = arith.addi %broadcast_in_dim3A_3, %add3A_232 : vector<16xi32>
        %select_n3A_234 = arith.select %lt3A_230, %add3A_233, %broadcast_in_dim3A_3 : vector<16xi1>, vector<16xi32>
        %reshape3A_235 = vector.shape_cast %select_n3A_234 : vector<16xi32> to vector<16x1xi32>
        %gather3A_236 = vector.shape_cast %reshape3A_235 : vector<16x1xi32> to vector<16xi32>
        %gather3A_237 = tpu.dynamic_gather %masked_cumsum3A_227[%gather3A_236] in [0] : vector<16xf32>, vector<16xi32> -> vector<16xf32>
        %add3A_238 = arith.addf %scan3A_163, %gather3A_237 : vector<16xf32>
        %sub3A_239 = arith.subf %get3A_224, %masked_cumsum3A_227 : vector<16xf32>
        %add3A_240 = arith.addf %sub3A_239, %add3A_238 : vector<16xf32>
        %swap3A_241 = arith.constant 0 : i32
        %swap3A_242 = arith.constant 2 : i32
        %swap3A_243 = arith.index_cast %swap3A_241 : i32 to index
        %swap3A_244 = arith.index_cast %swap3A_242 : i32 to index
        %swap3A_245 = arith.index_cast %mul3A_168 : i32 to index
        %swap3A_246 = tpu.vector_load %arg5[%swap3A_243, %swap3A_244, %swap3A_245] {strides = array<i32>} : memref<2x4x4096xf32, #tpu.memory_space<vmem>>, vector<16xf32>,
        tpu.vector_store %arg5[%swap3A_243, %swap3A_244, %swap3A_245], %add3A_240 {strides = array<i32>} : memref<2x4x4096xf32, #tpu.memory_space<vmem>>, vector<16xf32>,
        %get3A_247 = arith.constant 0 : i32
        %get3A_248 = arith.constant 3 : i32
        %get3A_249 = arith.index_cast %get3A_247 : i32 to index
        %get3A_250 = arith.index_cast %get3A_248 : i32 to index
        %get3A_251 = arith.index_cast %mul3A_168 : i32 to index
        %get3A_252 = tpu.vector_load %arg4[%get3A_249, %get3A_250, %get3A_251] {strides = array<i32>} : memref<2x4x4096xf32, #tpu.memory_space<vmem>>, vector<16xf32>,
        %broadcast_in_dim3A_253 = arith.constant true
        %broadcast_in_dim3A_254 = vector.broadcast %broadcast_in_dim3A_253 : i1 to vector<16xi1>
        %masked_cumsum3A_255 = tpu.scan <sum>, %get3A_252 masked %broadcast_in_dim3A_254 : vector<16xf32>, vector<16xi1> -> vector<16xf32>
        %lt3A_256 = arith.constant 0 : i32
        %lt3A_257 = vector.broadcast %lt3A_256 : i32 to vector<16xi32>
        %lt3A_258 = arith.cmpi slt, %broadcast_in_dim3A_3, %lt3A_257 : vector<16xi32>
        %add3A_259 = arith.constant 16 : i32
        %add3A_260 = vector.broadcast %add3A_259 : i32 to vector<16xi32>
        %add3A_261 = arith.addi %broadcast_in_dim3A_3, %add3A_260 : vector<16xi32>
        %select_n3A_262 = arith.select %lt3A_258, %add3A_261, %broadcast_in_dim3A_3 : vector<16xi1>, vector<16xi32>
        %reshape3A_263 = vector.shape_cast %select_n3A_262 : vector<16xi32> to vector<16x1xi32>
        %gather3A_264 = vector.shape_cast %reshape3A_263 : vector<16x1xi32> to vector<16xi32>
        %gather3A_265 = tpu.dynamic_gather %masked_cumsum3A_255[%gather3A_264] in [0] : vector<16xf32>, vector<16xi32> -> vector<16xf32>
        %add3A_266 = arith.addf %scan3A_164, %gather3A_265 : vector<16xf32>
        %sub3A_267 = arith.subf %get3A_252, %masked_cumsum3A_255 : vector<16xf32>
        %add3A_268 = arith.addf %sub3A_267, %add3A_266 : vector<16xf32>
        %swap3A_269 = arith.constant 0 : i32
        %swap3A_270 = arith.constant 3 : i32
        %swap3A_271 = arith.index_cast %swap3A_269 : i32 to index
        %swap3A_272 = arith.index_cast %swap3A_270 : i32 to index
        %swap3A_273 = arith.index_cast %mul3A_168 : i32 to index
        %swap3A_274 = tpu.vector_load %arg5[%swap3A_271, %swap3A_272, %swap3A_273] {strides = array<i32>} : memref<2x4x4096xf32, #tpu.memory_space<vmem>>, vector<16xf32>,
        tpu.vector_store %arg5[%swap3A_271, %swap3A_272, %swap3A_273], %add3A_268 {strides = array<i32>} : memref<2x4x4096xf32, #tpu.memory_space<vmem>>, vector<16xf32>,
        scf.yield %add3A_183, %add3A_210, %add3A_238, %add3A_266 : vector<16xf32>, vector<16xf32>, vector<16xf32>, vector<16xf32>
      }
      %scan3A_99 = arith.constant 256 : i32
      %sub3A_100 = arith.constant 7 : i32
      %sub3A_101 = arith.subi %sub3A_100, %mul3A_60 : i32
      %mul3A_102 = arith.constant 4096 : i32
      %mul3A_103 = arith.muli %sub3A_101, %mul3A_102 : i32
      %dma_start3A_104 = arith.constant 0 : i32
      %dma_start3A_105 = arith.constant 0 : i32
      %dma_start3A_106 = arith.constant 0 : i32
      %dma_start3A_107 = tpu.memref_slice %arg5[%dma_start3A_104, %dma_start3A_105, %dma_start3A_106] : memref<2x4x4096xf32, #tpu.memory_space<vmem>> -> memref<1x4x4096xf32, #tpu.memory_space<vmem>>
      %dma_start3A_108 = tpu.memref_squeeze %dma_start3A_107 : memref<1x4x4096xf32, #tpu.memory_space<vmem>> -> memref<4x4096xf32, #tpu.memory_space<vmem>>
      %dma_start3A_109 = tpu.memref_slice %arg3[%mul3A_2, %mul3A_103] : memref<128x32768xf32, #tpu.memory_space<hbm>> -> memref<4x4096xf32, #tpu.memory_space<hbm>>
      %dma_start3A_110 = tpu.memref_slice %arg3[%mul3A_2, %mul3A_103] : memref<128x32768xf32, #tpu.memory_space<hbm>> -> memref<4x4096xf32, #tpu.memory_space<hbm>>
      %dma_start3A_111 = arith.constant 0 : i32
      %dma_start3A_112 = arith.constant 0 : i32
      %dma_start3A_113 = tpu.memref_slice %arg5[%dma_start3A_104, %dma_start3A_111, %dma_start3A_112] : memref<2x4x4096xf32, #tpu.memory_space<vmem>> -> memref<1x4x4096xf32, #tpu.memory_space<vmem>>
      %dma_start3A_114 = tpu.memref_squeeze %dma_start3A_113 : memref<1x4x4096xf32, #tpu.memory_space<vmem>> -> memref<4x4096xf32, #tpu.memory_space<vmem>>
      tpu.enqueue_dma source(%dma_start3A_114 : memref<4x4096xf32, #tpu.memory_space<vmem>>) target(%dma_start3A_110 : memref<4x4096xf32, #tpu.memory_space<hbm>>) target_semaphore(%arg8 : memref<!tpu.dma_semaphore, #tpu.memory_space<semaphore_mem>>)
      %lt3A = arith.constant 3 : i32
      %lt3A_115 = arith.cmpi slt, %scan3A_54, %lt3A : i32
      %convert_element_type3A_116 = arith.extui %lt3A_115 : i1 to i32
      %cond3A_117 = arith.constant 0 : i32
      %cond3A_118 = arith.cmpi ne, %convert_element_type3A_116, %cond3A_117 : i32
      scf.if %cond3A_118 {
        %add3A_160 = arith.constant 1 : i32
        %add3A_161 = arith.addi %add3A_62, %add3A_160 : i32
        %sub3A_162 = arith.constant 7 : i32
        %sub3A_163 = arith.subi %sub3A_162, %add3A_161 : i32
        %mul3A_164 = arith.constant 4096 : i32
        %mul3A_165 = arith.muli %sub3A_163, %mul3A_164 : i32
        %dma_start3A_166 = arith.constant 0 : i32
        %dma_start3A_167 = arith.constant 0 : i32
        %dma_start3A_168 = arith.constant 0 : i32
        %dma_start3A_169 = tpu.memref_slice %arg4[%dma_start3A_166, %dma_start3A_167, %dma_start3A_168] : memref<2x4x4096xf32, #tpu.memory_space<vmem>> -> memref<1x4x4096xf32, #tpu.memory_space<vmem>>
        %dma_start3A_170 = tpu.memref_squeeze %dma_start3A_169 : memref<1x4x4096xf32, #tpu.memory_space<vmem>> -> memref<4x4096xf32, #tpu.memory_space<vmem>>
        %dma_start3A_171 = tpu.memref_slice %arg2[%mul3A_2, %mul3A_165] : memref<128x32768xf32, #tpu.memory_space<hbm>> -> memref<4x4096xf32, #tpu.memory_space<hbm>>
        %dma_start3A_172 = arith.constant 0 : i32
        %dma_start3A_173 = arith.constant 0 : i32
        %dma_start3A_174 = tpu.memref_slice %arg4[%dma_start3A_166, %dma_start3A_172, %dma_start3A_173] : memref<2x4x4096xf32, #tpu.memory_space<vmem>> -> memref<1x4x4096xf32, #tpu.memory_space<vmem>>
        %dma_start3A_175 = tpu.memref_squeeze %dma_start3A_174 : memref<1x4x4096xf32, #tpu.memory_space<vmem>> -> memref<4x4096xf32, #tpu.memory_space<vmem>>
        %dma_start3A_176 = tpu.memref_slice %arg2[%mul3A_2, %mul3A_165] : memref<128x32768xf32, #tpu.memory_space<hbm>> -> memref<4x4096xf32, #tpu.memory_space<hbm>>
        tpu.enqueue_dma source(%dma_start3A_176 : memref<4x4096xf32, #tpu.memory_space<hbm>>) target(%dma_start3A_175 : memref<4x4096xf32, #tpu.memory_space<vmem>>) target_semaphore(%arg6 : memref<!tpu.dma_semaphore, #tpu.memory_space<semaphore_mem>>)
      } else {
      }
      %sub3A_119 = arith.constant 7 : i32
      %sub3A_120 = arith.subi %sub3A_119, %add3A_62 : i32
      %mul3A_121 = arith.constant 4096 : i32
      %mul3A_122 = arith.muli %sub3A_120, %mul3A_121 : i32
      %dma_wait3A_123 = arith.constant 1 : i32
      %dma_wait3A_124 = arith.constant 0 : i32
      %dma_wait3A_125 = arith.constant 0 : i32
      %dma_wait3A_126 = tpu.memref_slice %arg4[%dma_wait3A_123, %dma_wait3A_124, %dma_wait3A_125] : memref<2x4x4096xf32, #tpu.memory_space<vmem>> -> memref<1x4x4096xf32, #tpu.memory_space<vmem>>
      %dma_wait3A_127 = tpu.memref_squeeze %dma_wait3A_126 : memref<1x4x4096xf32, #tpu.memory_space<vmem>> -> memref<4x4096xf32, #tpu.memory_space<vmem>>
      %dma_wait3A_128 = tpu.memref_slice %arg2[%mul3A_2, %mul3A_122] : memref<128x32768xf32, #tpu.memory_space<hbm>> -> memref<4x4096xf32, #tpu.memory_space<hbm>>
      %dma_wait3A_129 = arith.constant 0 : i32
      %dma_wait3A_130 = arith.constant 0 : i32
      %dma_wait3A_131 = tpu.memref_slice %arg4[%dma_wait3A_123, %dma_wait3A_129, %dma_wait3A_130] : memref<2x4x4096xf32, #tpu.memory_space<vmem>> -> memref<1x4x4096xf32, #tpu.memory_space<vmem>>
      %dma_wait3A_132 = tpu.memref_squeeze %dma_wait3A_131 : memref<1x4x4096xf32, #tpu.memory_space<vmem>> -> memref<4x4096xf32, #tpu.memory_space<vmem>>
      %dma_wait3A_133 = tpu.memref_slice %arg2[%mul3A_2, %mul3A_122] : memref<128x32768xf32, #tpu.memory_space<hbm>> -> memref<4x4096xf32, #tpu.memory_space<hbm>>
      tpu.wait_dma2 semaphore(%arg7 : memref<!tpu.dma_semaphore, #tpu.memory_space<semaphore_mem>>) src(%dma_wait3A_133 : memref<4x4096xf32, #tpu.memory_space<hbm>>) dst(%dma_wait3A_132 : memref<4x4096xf32, #tpu.memory_space<vmem>>)
      %gt3A_134 = arith.constant 0 : i32
      %gt3A_135 = arith.cmpi sgt, %scan3A_54, %gt3A_134 : i32
      %convert_element_type3A_136 = arith.extui %gt3A_135 : i1 to i32
      %cond3A_137 = arith.constant 0 : i32
      %cond3A_138 = arith.cmpi ne, %convert_element_type3A_136, %cond3A_137 : i32
      scf.if %cond3A_138 {
        %sub3A_160 = arith.constant 2 : i32
        %sub3A_161 = arith.subi %add3A_62, %sub3A_160 : i32
        %sub3A_162 = arith.constant 7 : i32
        %sub3A_163 = arith.subi %sub3A_162, %sub3A_161 : i32
        %mul3A_164 = arith.constant 4096 : i32
        %mul3A_165 = arith.muli %sub3A_163, %mul3A_164 : i32
        %dma_wait3A_166 = arith.constant 1 : i32
        %dma_wait3A_167 = arith.constant 0 : i32
        %dma_wait3A_168 = arith.constant 0 : i32
        %dma_wait3A_169 = tpu.memref_slice %arg5[%dma_wait3A_166, %dma_wait3A_167, %dma_wait3A_168] : memref<2x4x4096xf32, #tpu.memory_space<vmem>> -> memref<1x4x4096xf32, #tpu.memory_space<vmem>>
        %dma_wait3A_170 = tpu.memref_squeeze %dma_wait3A_169 : memref<1x4x4096xf32, #tpu.memory_space<vmem>> -> memref<4x4096xf32, #tpu.memory_space<vmem>>
        %dma_wait3A_171 = tpu.memref_slice %arg3[%mul3A_2, %mul3A_165] : memref<128x32768xf32, #tpu.memory_space<hbm>> -> memref<4x4096xf32, #tpu.memory_space<hbm>>
        %dma_wait3A_172 = tpu.memref_slice %arg3[%mul3A_2, %mul3A_165] : memref<128x32768xf32, #tpu.memory_space<hbm>> -> memref<4x4096xf32, #tpu.memory_space<hbm>>
        %dma_wait3A_173 = arith.constant 0 : i32
        %dma_wait3A_174 = arith.constant 0 : i32
        %dma_wait3A_175 = tpu.memref_slice %arg5[%dma_wait3A_166, %dma_wait3A_173, %dma_wait3A_174] : memref<2x4x4096xf32, #tpu.memory_space<vmem>> -> memref<1x4x4096xf32, #tpu.memory_space<vmem>>
        %dma_wait3A_176 = tpu.memref_squeeze %dma_wait3A_175 : memref<1x4x4096xf32, #tpu.memory_space<vmem>> -> memref<4x4096xf32, #tpu.memory_space<vmem>>
        tpu.wait_dma2 semaphore(%arg9 : memref<!tpu.dma_semaphore, #tpu.memory_space<semaphore_mem>>) src(%dma_wait3A_176 : memref<4x4096xf32, #tpu.memory_space<vmem>>) dst(%dma_wait3A_172 : memref<4x4096xf32, #tpu.memory_space<hbm>>)
      } else {
      }
      %scan3A_139 = arith.constant 0 : i32
      %scan3A_140 = arith.constant 256 : i32
      %scan3A_141 = arith.addi %scan3A_139, %scan3A_140 : i32
      %scan3A_142 = arith.constant 1 : i32
      %scan3A_143:4 = scf.for %scan3A_160 = %scan3A_139 to %scan3A_141 step %scan3A_142 iter_args(%scan3A_161 = %scan3A_98#0, %scan3A_162 = %scan3A_98#1, %scan3A_163 = %scan3A_98#2, %scan3A_164 = %scan3A_98#3) -> (vector<16xf32>, vector<16xf32>, vector<16xf32>, vector<16xf32>)  : i32 {
        %sub3A_165 = arith.constant 255 : i32
        %sub3A_166 = arith.subi %sub3A_165, %scan3A_160 : i32
        %mul3A_167 = arith.constant 16 : i32
        %mul3A_168 = arith.muli %sub3A_166, %mul3A_167 : i32
        %get3A = arith.constant 1 : i32
        %get3A_169 = arith.constant 0 : i32
        %get3A_170 = arith.index_cast %get3A : i32 to index
        %get3A_171 = arith.index_cast %get3A_169 : i32 to index
        %get3A_172 = arith.index_cast %mul3A_168 : i32 to index
        %get3A_173 = tpu.vector_load %arg4[%get3A_170, %get3A_171, %get3A_172] {strides = array<i32>} : memref<2x4x4096xf32, #tpu.memory_space<vmem>>, vector<16xf32>,
        %broadcast_in_dim3A_174 = arith.constant true
        %broadcast_in_dim3A_175 = vector.broadcast %broadcast_in_dim3A_174 : i1 to vector<16xi1>
        %masked_cumsum3A = tpu.scan <sum>, %get3A_173 masked %broadcast_in_dim3A_175 : vector<16xf32>, vector<16xi1> -> vector<16xf32>
        %lt3A_176 = arith.constant 0 : i32
        %lt3A_177 = vector.broadcast %lt3A_176 : i32 to vector<16xi32>
        %lt3A_178 = arith.cmpi slt, %broadcast_in_dim3A_3, %lt3A_177 : vector<16xi32>
        %add3A_179 = arith.constant 16 : i32
        %add3A_180 = vector.broadcast %add3A_179 : i32 to vector<16xi32>
        %add3A_181 = arith.addi %broadcast_in_dim3A_3, %add3A_180 : vector<16xi32>
        %select_n3A = arith.select %lt3A_178, %add3A_181, %broadcast_in_dim3A_3 : vector<16xi1>, vector<16xi32>
        %reshape3A = vector.shape_cast %select_n3A : vector<16xi32> to vector<16x1xi32>
        %gather3A = vector.shape_cast %reshape3A : vector<16x1xi32> to vector<16xi32>
        %gather3A_182 = tpu.dynamic_gather %masked_cumsum3A[%gather3A] in [0] : vector<16xf32>, vector<16xi32> -> vector<16xf32>
        %add3A_183 = arith.addf %scan3A_161, %gather3A_182 : vector<16xf32>
        %sub3A_184 = arith.subf %get3A_173, %masked_cumsum3A : vector<16xf32>
        %add3A_185 = arith.addf %sub3A_184, %add3A_183 : vector<16xf32>
        %swap3A = arith.constant 1 : i32
        %swap3A_186 = arith.constant 0 : i32
        %swap3A_187 = arith.index_cast %swap3A : i32 to index
        %swap3A_188 = arith.index_cast %swap3A_186 : i32 to index
        %swap3A_189 = arith.index_cast %mul3A_168 : i32 to index
        %swap3A_190 = tpu.vector_load %arg5[%swap3A_187, %swap3A_188, %swap3A_189] {strides = array<i32>} : memref<2x4x4096xf32, #tpu.memory_space<vmem>>, vector<16xf32>,
        tpu.vector_store %arg5[%swap3A_187, %swap3A_188, %swap3A_189], %add3A_185 {strides = array<i32>} : memref<2x4x4096xf32, #tpu.memory_space<vmem>>, vector<16xf32>,
        %get3A_191 = arith.constant 1 : i32
        %get3A_192 = arith.constant 1 : i32
        %get3A_193 = arith.index_cast %get3A_191 : i32 to index
        %get3A_194 = arith.index_cast %get3A_192 : i32 to index
        %get3A_195 = arith.index_cast %mul3A_168 : i32 to index
        %get3A_196 = tpu.vector_load %arg4[%get3A_193, %get3A_194, %get3A_195] {strides = array<i32>} : memref<2x4x4096xf32, #tpu.memory_space<vmem>>, vector<16xf32>,
        %broadcast_in_dim3A_197 = arith.constant true
        %broadcast_in_dim3A_198 = vector.broadcast %broadcast_in_dim3A_197 : i1 to vector<16xi1>
        %masked_cumsum3A_199 = tpu.scan <sum>, %get3A_196 masked %broadcast_in_dim3A_198 : vector<16xf32>, vector<16xi1> -> vector<16xf32>
        %lt3A_200 = arith.constant 0 : i32
        %lt3A_201 = vector.broadcast %lt3A_200 : i32 to vector<16xi32>
        %lt3A_202 = arith.cmpi slt, %broadcast_in_dim3A_3, %lt3A_201 : vector<16xi32>
        %add3A_203 = arith.constant 16 : i32
        %add3A_204 = vector.broadcast %add3A_203 : i32 to vector<16xi32>
        %add3A_205 = arith.addi %broadcast_in_dim3A_3, %add3A_204 : vector<16xi32>
        %select_n3A_206 = arith.select %lt3A_202, %add3A_205, %broadcast_in_dim3A_3 : vector<16xi1>, vector<16xi32>
        %reshape3A_207 = vector.shape_cast %select_n3A_206 : vector<16xi32> to vector<16x1xi32>
        %gather3A_208 = vector.shape_cast %reshape3A_207 : vector<16x1xi32> to vector<16xi32>
        %gather3A_209 = tpu.dynamic_gather %masked_cumsum3A_199[%gather3A_208] in [0] : vector<16xf32>, vector<16xi32> -> vector<16xf32>
        %add3A_210 = arith.addf %scan3A_162, %gather3A_209 : vector<16xf32>
        %sub3A_211 = arith.subf %get3A_196, %masked_cumsum3A_199 : vector<16xf32>
        %add3A_212 = arith.addf %sub3A_211, %add3A_210 : vector<16xf32>
        %swap3A_213 = arith.constant 1 : i32
        %swap3A_214 = arith.constant 1 : i32
        %swap3A_215 = arith.index_cast %swap3A_213 : i32 to index
        %swap3A_216 = arith.index_cast %swap3A_214 : i32 to index
        %swap3A_217 = arith.index_cast %mul3A_168 : i32 to index
        %swap3A_218 = tpu.vector_load %arg5[%swap3A_215, %swap3A_216, %swap3A_217] {strides = array<i32>} : memref<2x4x4096xf32, #tpu.memory_space<vmem>>, vector<16xf32>,
        tpu.vector_store %arg5[%swap3A_215, %swap3A_216, %swap3A_217], %add3A_212 {strides = array<i32>} : memref<2x4x4096xf32, #tpu.memory_space<vmem>>, vector<16xf32>,
        %get3A_219 = arith.constant 1 : i32
        %get3A_220 = arith.constant 2 : i32
        %get3A_221 = arith.index_cast %get3A_219 : i32 to index
        %get3A_222 = arith.index_cast %get3A_220 : i32 to index
        %get3A_223 = arith.index_cast %mul3A_168 : i32 to index
        %get3A_224 = tpu.vector_load %arg4[%get3A_221, %get3A_222, %get3A_223] {strides = array<i32>} : memref<2x4x4096xf32, #tpu.memory_space<vmem>>, vector<16xf32>,
        %broadcast_in_dim3A_225 = arith.constant true
        %broadcast_in_dim3A_226 = vector.broadcast %broadcast_in_dim3A_225 : i1 to vector<16xi1>
        %masked_cumsum3A_227 = tpu.scan <sum>, %get3A_224 masked %broadcast_in_dim3A_226 : vector<16xf32>, vector<16xi1> -> vector<16xf32>
        %lt3A_228 = arith.constant 0 : i32
        %lt3A_229 = vector.broadcast %lt3A_228 : i32 to vector<16xi32>
        %lt3A_230 = arith.cmpi slt, %broadcast_in_dim3A_3, %lt3A_229 : vector<16xi32>
        %add3A_231 = arith.constant 16 : i32
        %add3A_232 = vector.broadcast %add3A_231 : i32 to vector<16xi32>
        %add3A_233 = arith.addi %broadcast_in_dim3A_3, %add3A_232 : vector<16xi32>
        %select_n3A_234 = arith.select %lt3A_230, %add3A_233, %broadcast_in_dim3A_3 : vector<16xi1>, vector<16xi32>
        %reshape3A_235 = vector.shape_cast %select_n3A_234 : vector<16xi32> to vector<16x1xi32>
        %gather3A_236 = vector.shape_cast %reshape3A_235 : vector<16x1xi32> to vector<16xi32>
        %gather3A_237 = tpu.dynamic_gather %masked_cumsum3A_227[%gather3A_236] in [0] : vector<16xf32>, vector<16xi32> -> vector<16xf32>
        %add3A_238 = arith.addf %scan3A_163, %gather3A_237 : vector<16xf32>
        %sub3A_239 = arith.subf %get3A_224, %masked_cumsum3A_227 : vector<16xf32>
        %add3A_240 = arith.addf %sub3A_239, %add3A_238 : vector<16xf32>
        %swap3A_241 = arith.constant 1 : i32
        %swap3A_242 = arith.constant 2 : i32
        %swap3A_243 = arith.index_cast %swap3A_241 : i32 to index
        %swap3A_244 = arith.index_cast %swap3A_242 : i32 to index
        %swap3A_245 = arith.index_cast %mul3A_168 : i32 to index
        %swap3A_246 = tpu.vector_load %arg5[%swap3A_243, %swap3A_244, %swap3A_245] {strides = array<i32>} : memref<2x4x4096xf32, #tpu.memory_space<vmem>>, vector<16xf32>,
        tpu.vector_store %arg5[%swap3A_243, %swap3A_244, %swap3A_245], %add3A_240 {strides = array<i32>} : memref<2x4x4096xf32, #tpu.memory_space<vmem>>, vector<16xf32>,
        %get3A_247 = arith.constant 1 : i32
        %get3A_248 = arith.constant 3 : i32
        %get3A_249 = arith.index_cast %get3A_247 : i32 to index
        %get3A_250 = arith.index_cast %get3A_248 : i32 to index
        %get3A_251 = arith.index_cast %mul3A_168 : i32 to index
        %get3A_252 = tpu.vector_load %arg4[%get3A_249, %get3A_250, %get3A_251] {strides = array<i32>} : memref<2x4x4096xf32, #tpu.memory_space<vmem>>, vector<16xf32>,
        %broadcast_in_dim3A_253 = arith.constant true
        %broadcast_in_dim3A_254 = vector.broadcast %broadcast_in_dim3A_253 : i1 to vector<16xi1>
        %masked_cumsum3A_255 = tpu.scan <sum>, %get3A_252 masked %broadcast_in_dim3A_254 : vector<16xf32>, vector<16xi1> -> vector<16xf32>
        %lt3A_256 = arith.constant 0 : i32
        %lt3A_257 = vector.broadcast %lt3A_256 : i32 to vector<16xi32>
        %lt3A_258 = arith.cmpi slt, %broadcast_in_dim3A_3, %lt3A_257 : vector<16xi32>
        %add3A_259 = arith.constant 16 : i32
        %add3A_260 = vector.broadcast %add3A_259 : i32 to vector<16xi32>
        %add3A_261 = arith.addi %broadcast_in_dim3A_3, %add3A_260 : vector<16xi32>
        %select_n3A_262 = arith.select %lt3A_258, %add3A_261, %broadcast_in_dim3A_3 : vector<16xi1>, vector<16xi32>
        %reshape3A_263 = vector.shape_cast %select_n3A_262 : vector<16xi32> to vector<16x1xi32>
        %gather3A_264 = vector.shape_cast %reshape3A_263 : vector<16x1xi32> to vector<16xi32>
        %gather3A_265 = tpu.dynamic_gather %masked_cumsum3A_255[%gather3A_264] in [0] : vector<16xf32>, vector<16xi32> -> vector<16xf32>
        %add3A_266 = arith.addf %scan3A_164, %gather3A_265 : vector<16xf32>
        %sub3A_267 = arith.subf %get3A_252, %masked_cumsum3A_255 : vector<16xf32>
        %add3A_268 = arith.addf %sub3A_267, %add3A_266 : vector<16xf32>
        %swap3A_269 = arith.constant 1 : i32
        %swap3A_270 = arith.constant 3 : i32
        %swap3A_271 = arith.index_cast %swap3A_269 : i32 to index
        %swap3A_272 = arith.index_cast %swap3A_270 : i32 to index
        %swap3A_273 = arith.index_cast %mul3A_168 : i32 to index
        %swap3A_274 = tpu.vector_load %arg5[%swap3A_271, %swap3A_272, %swap3A_273] {strides = array<i32>} : memref<2x4x4096xf32, #tpu.memory_space<vmem>>, vector<16xf32>,
        tpu.vector_store %arg5[%swap3A_271, %swap3A_272, %swap3A_273], %add3A_268 {strides = array<i32>} : memref<2x4x4096xf32, #tpu.memory_space<vmem>>, vector<16xf32>,
        scf.yield %add3A_183, %add3A_210, %add3A_238, %add3A_266 : vector<16xf32>, vector<16xf32>, vector<16xf32>, vector<16xf32>
      }
      %scan3A_144 = arith.constant 256 : i32
      %sub3A_145 = arith.constant 7 : i32
      %sub3A_146 = arith.subi %sub3A_145, %add3A_62 : i32
      %mul3A_147 = arith.constant 4096 : i32
      %mul3A_148 = arith.muli %sub3A_146, %mul3A_147 : i32
      %dma_start3A_149 = arith.constant 1 : i32
      %dma_start3A_150 = arith.constant 0 : i32
      %dma_start3A_151 = arith.constant 0 : i32
      %dma_start3A_152 = tpu.memref_slice %arg5[%dma_start3A_149, %dma_start3A_150, %dma_start3A_151] : memref<2x4x4096xf32, #tpu.memory_space<vmem>> -> memref<1x4x4096xf32, #tpu.memory_space<vmem>>
      %dma_start3A_153 = tpu.memref_squeeze %dma_start3A_152 : memref<1x4x4096xf32, #tpu.memory_space<vmem>> -> memref<4x4096xf32, #tpu.memory_space<vmem>>
      %dma_start3A_154 = tpu.memref_slice %arg3[%mul3A_2, %mul3A_148] : memref<128x32768xf32, #tpu.memory_space<hbm>> -> memref<4x4096xf32, #tpu.memory_space<hbm>>
      %dma_start3A_155 = tpu.memref_slice %arg3[%mul3A_2, %mul3A_148] : memref<128x32768xf32, #tpu.memory_space<hbm>> -> memref<4x4096xf32, #tpu.memory_space<hbm>>
      %dma_start3A_156 = arith.constant 0 : i32
      %dma_start3A_157 = arith.constant 0 : i32
      %dma_start3A_158 = tpu.memref_slice %arg5[%dma_start3A_149, %dma_start3A_156, %dma_start3A_157] : memref<2x4x4096xf32, #tpu.memory_space<vmem>> -> memref<1x4x4096xf32, #tpu.memory_space<vmem>>
      %dma_start3A_159 = tpu.memref_squeeze %dma_start3A_158 : memref<1x4x4096xf32, #tpu.memory_space<vmem>> -> memref<4x4096xf32, #tpu.memory_space<vmem>>
      tpu.enqueue_dma source(%dma_start3A_159 : memref<4x4096xf32, #tpu.memory_space<vmem>>) target(%dma_start3A_155 : memref<4x4096xf32, #tpu.memory_space<hbm>>) target_semaphore(%arg9 : memref<!tpu.dma_semaphore, #tpu.memory_space<semaphore_mem>>)
      scf.yield %scan3A_143#0, %scan3A_143#1, %scan3A_143#2, %scan3A_143#3 : vector<16xf32>, vector<16xf32>, vector<16xf32>, vector<16xf32>
    }
    %scan3A_28 = arith.constant 4 : i32
    %dma_wait3A = arith.constant 0 : i32
    %dma_wait3A_29 = arith.constant 0 : i32
    %dma_wait3A_30 = arith.constant 0 : i32
    %dma_wait3A_31 = tpu.memref_slice %arg5[%dma_wait3A, %dma_wait3A_29, %dma_wait3A_30] : memref<2x4x4096xf32, #tpu.memory_space<vmem>> -> memref<1x4x4096xf32, #tpu.memory_space<vmem>>
    %dma_wait3A_32 = tpu.memref_squeeze %dma_wait3A_31 : memref<1x4x4096xf32, #tpu.memory_space<vmem>> -> memref<4x4096xf32, #tpu.memory_space<vmem>>
    %dma_wait3A_33 = arith.constant 4096 : i32
    %dma_wait3A_34 = tpu.memref_slice %arg3[%mul3A_2, %dma_wait3A_33] : memref<128x32768xf32, #tpu.memory_space<hbm>> -> memref<4x4096xf32, #tpu.memory_space<hbm>>
    %dma_wait3A_35 = arith.constant 4096 : i32
    %dma_wait3A_36 = tpu.memref_slice %arg3[%mul3A_2, %dma_wait3A_35] : memref<128x32768xf32, #tpu.memory_space<hbm>> -> memref<4x4096xf32, #tpu.memory_space<hbm>>
    %dma_wait3A_37 = arith.constant 0 : i32
    %dma_wait3A_38 = arith.constant 0 : i32
    %dma_wait3A_39 = tpu.memref_slice %arg5[%dma_wait3A, %dma_wait3A_37, %dma_wait3A_38] : memref<2x4x4096xf32, #tpu.memory_space<vmem>> -> memref<1x4x4096xf32, #tpu.memory_space<vmem>>
    %dma_wait3A_40 = tpu.memref_squeeze %dma_wait3A_39 : memref<1x4x4096xf32, #tpu.memory_space<vmem>> -> memref<4x4096xf32, #tpu.memory_space<vmem>>
    tpu.wait_dma2 semaphore(%arg8 : memref<!tpu.dma_semaphore, #tpu.memory_space<semaphore_mem>>) src(%dma_wait3A_40 : memref<4x4096xf32, #tpu.memory_space<vmem>>) dst(%dma_wait3A_36 : memref<4x4096xf32, #tpu.memory_space<hbm>>)
    %dma_wait3A_41 = arith.constant 1 : i32
    %dma_wait3A_42 = arith.constant 0 : i32
    %dma_wait3A_43 = arith.constant 0 : i32
    %dma_wait3A_44 = tpu.memref_slice %arg5[%dma_wait3A_41, %dma_wait3A_42, %dma_wait3A_43] : memref<2x4x4096xf32, #tpu.memory_space<vmem>> -> memref<1x4x4096xf32, #tpu.memory_space<vmem>>
    %dma_wait3A_45 = tpu.memref_squeeze %dma_wait3A_44 : memref<1x4x4096xf32, #tpu.memory_space<vmem>> -> memref<4x4096xf32, #tpu.memory_space<vmem>>
    %dma_wait3A_46 = arith.constant 0 : i32
    %dma_wait3A_47 = tpu.memref_slice %arg3[%mul3A_2, %dma_wait3A_46] : memref<128x32768xf32, #tpu.memory_space<hbm>> -> memref<4x4096xf32, #tpu.memory_space<hbm>>
    %dma_wait3A_48 = arith.constant 0 : i32
    %dma_wait3A_49 = tpu.memref_slice %arg3[%mul3A_2, %dma_wait3A_48] : memref<128x32768xf32, #tpu.memory_space<hbm>> -> memref<4x4096xf32, #tpu.memory_space<hbm>>
    %dma_wait3A_50 = arith.constant 0 : i32
    %dma_wait3A_51 = arith.constant 0 : i32
    %dma_wait3A_52 = tpu.memref_slice %arg5[%dma_wait3A_41, %dma_wait3A_50, %dma_wait3A_51] : memref<2x4x4096xf32, #tpu.memory_space<vmem>> -> memref<1x4x4096xf32, #tpu.memory_space<vmem>>
    %dma_wait3A_53 = tpu.memref_squeeze %dma_wait3A_52 : memref<1x4x4096xf32, #tpu.memory_space<vmem>> -> memref<4x4096xf32, #tpu.memory_space<vmem>>
    tpu.wait_dma2 semaphore(%arg9 : memref<!tpu.dma_semaphore, #tpu.memory_space<semaphore_mem>>) src(%dma_wait3A_53 : memref<4x4096xf32, #tpu.memory_space<vmem>>) dst(%dma_wait3A_49 : memref<4x4096xf32, #tpu.memory_space<hbm>>)
    return
  }
}

</mosaic_0001>

<sc_bundles>
// kernel: kernel.3.cloned.1.call-start
scs
__scs_entry_jumppad:
0x0: {  	(pc) =	sbr.rel $0x88, $3  }
0x1: {  	(tag) =	ssettag $0x0;
	lr =	simm.s32 $0x1  }
0x2: {  	[smem:$0x3FA0] =	sst lr;
	_ =	strace $0xD0000000  }
0x3: {  	_ = 	snop  }
0x4: {  	_ = 	snop  }
0x5: {  	_ = 	snop  }
0x6: {  	_ = 	snop  }
0x7: {  	_ = 	snop  }
__scs_overlays_trampoline_lowered:
0x8: {  	[smem:$0x3FAF] =	sst s0  }
0x9: {  	[smem:$0x3FB0] =	sst s1  }
0xa: {  	[smem:$0x3FB1] =	sst s2  }
0xb: {  	[smem:$0x3FB2] =	sst s3  }
0xc: {  	[smem:$0x3FB3] =	sst s4  }
0xd: {  	[smem:$0x3FB4] =	sst s5  }
0xe: {  	[smem:$0x3FB5] =	sst s6  }
0xf: {  	[smem:$0x3FB6] =	sst s7  }
0x10: {  	[smem:$0x3FB7] =	sst s8  }
0x11: {  	[smem:$0x3FB8] =	sst s9;
	s0 =	simm.s32 @!p0 $0x0  }
0x12: {  	s1 =	sld [smem:$0x3F9E];
	s0 =	simm.s32 @p0 $0x1  }
0x13: {  	[smem:$0x3FB9] =	sst s0;
	s0 =	simm.s32 @!p1 $0x0  }
0x14: {  	s2 =	sld [smem:$0x3F9D];
	s0 =	simm.s32 @p1 $0x1  }
0x15: {  	[smem:$0x3FBA] =	sst s0;
	s0 =	simm.s32 @!p2 $0x0  }
0x16: {  	s3 =	sld [smem:$0x3FDB];
	s0 =	simm.s32 @p2 $0x1  }
0x17: {  	s4 =	simm.s32 $0x1BF5;
	[smem:$0x3FBC] =	sst s0  }
0x18: {  	s0 =	sld [smem:$0x3F9F];
	_ =	swait.ge [sflag:s4], $0x0  }
0x19: {  	s7 =	sld [smem:$0x3FA0]  }
0x1a: {  	s8 =	sadd.s32 $0xFFFFE003, lr  }
0x1b: {  	s9 =	sadd.s32 $0xFFFFFEF7, lr;
	s5 =	simm.s32 $0xFFFFFFFF;
	p2 =	slt.u32 s8, $0xFFFFF086  }
0x1c: {  	p1 =	slt.u32 s9, $0xF7A;
	s5 =	simm.s32 @!p2 $0x0  }
0x1d: {  	s5 =	simm.s32 @p1 $0x1;
	p0 =	seq.s32 s7, s2  }
0x1e: {  	s7 =	smul.u32 @!p0 $0xF7A, s2;
	p2 =	seq.s32 @!p0 s5, $0x0  }
0x1f: {  	s9 =	smul.u32 $0xF7A, s1;
	s8 =	simm.s32 @!p0 $0x1BF5;
	p2 =	por !p2, p0  }
0x20: {  	[sflag:s8] =	ssyncset.s32 @!p0 $0xFFFFF086;
	s6 =	sadd.s32 @!p0 s3, s7;
	s7 =	simm.s32 @!p0 $0x108  }
0x21: {  	s3 =	sadd.s32 s3, s9;
	s6 =	sadd.s32 @!p0 $0x88, s6;
	s7 =	simm.s32 @p2 $0x1082  }
0x22: {  	[simem:s7], [sflag:s8] =	dma.local @!p0 [hbm:s6], $0xF7A  }
0x23: {  	s9 =	sor.u32 $0xD0000000, s2;
	s6 =	simm.s32 $0x108;
	_ =	swait.ge @!p0 [sflag:s8], $0x0  }
0x24: {  	s3 =	sadd.s32 $0x88, s3;
	s6 =	simm.s32 @!p1 $0x1082;
	[sflag:s4] =	ssyncset.s32 $0xFFFFF086  }
0x25: {  	[simem:s6], [sflag:s4] =	dma.local [hbm:s3], $0xF7A  }
0x26: {  	[smem:$0x3FA0] =	sst s1;
	(tag) =	ssettag s2;
	_ =	strace s9  }
0x27: {  	s1 =	sld [smem:$0x3FB0]  }
0x28: {  	s2 =	sld [smem:$0x3FB1]  }
0x29: {  	s4 =	sld [smem:$0x3FB3]  }
0x2a: {  	p0 =	seq.s32 s5, $0x0;
	s5 =	sld [smem:$0x3FB4]  }
0x2b: {  	s6 =	sld [smem:$0x3FB5]  }
0x2c: {  	s7 =	sld [smem:$0x3FB6]  }
0x2d: {  	s3 =	simm.s32 $0x108;
	s8 =	sld [smem:$0x3FB7]  }
0x2e: {  	s3 =	simm.s32 @!p0 $0x1082;
	s9 =	sld [smem:$0x3FB8]  }
0x2f: {  	lr =	sadd.s32 s0, s3;
	s0 =	sld [smem:$0x3FAF]  }
0x30: {  	s3 =	sld [smem:$0x3FB2]  }
0x31: {  	[smem:$0x3FBB] =	sst s10  }
0x32: {  	s10 =	sld [smem:$0x3FB9];
	_ =	sdelay $0x3  }
0x33: {  	p0 =	seq.s32 s10, $0x1;
	s10 =	sld [smem:$0x3FBB];
	_ =	sdelay $0x3  }
0x34: {  	[smem:$0x3FBB] =	sst s10  }
0x35: {  	s10 =	sld [smem:$0x3FBA];
	_ =	sdelay $0x3  }
0x36: {  	p1 =	seq.s32 s10, $0x1;
	s10 =	sld [smem:$0x3FBB];
	_ =	sdelay $0x3  }
0x37: {  	[smem:$0x3FBB] =	sst s10  }
0x38: {  	s10 =	sld [smem:$0x3FBC]  }
0x39: {  	_ = 	snop;
	(pc) =	sbr.ind lr, $3  }
0x3a: {  	_ = 	snop  }
0x3b: {  	_ = 	snop  }
0x3c: {  	p2 =	seq.s32 s10, $0x1;
	s10 =	sld [smem:$0x3FBB]  }
0x3d: {  	_ =	shalt  }
0x3e: {  	_ =	shalt  }
0x3f: {  	_ =	shalt  }
0x40: {  	_ =	shalt  }
0x41: {  	_ =	shalt  }
0x42: {  	_ =	shalt  }
0x43: {  	_ =	shalt  }
0x44: {  	_ =	shalt  }
0x45: {  	_ =	shalt  }
0x46: {  	_ =	shalt  }
0x47: {  	_ =	shalt  }
0x48: {  	_ =	shalt  }
0x49: {  	_ =	shalt  }
0x4a: {  	_ =	shalt  }
0x4b: {  	_ =	shalt  }
0x4c: {  	_ =	shalt  }
0x4d: {  	_ =	shalt  }
0x4e: {  	_ =	shalt  }
0x4f: {  	_ =	shalt  }
0x50: {  	_ =	shalt  }
0x51: {  	_ =	shalt  }
0x52: {  	_ =	shalt  }
0x53: {  	_ =	shalt  }
0x54: {  	_ =	shalt  }
0x55: {  	_ =	shalt  }
0x56: {  	_ =	shalt  }
0x57: {  	_ =	shalt  }
0x58: {  	_ =	shalt  }
0x59: {  	_ =	shalt  }
0x5a: {  	_ =	shalt  }
0x5b: {  	_ =	shalt  }
0x5c: {  	_ =	shalt  }
0x5d: {  	_ =	shalt  }
0x5e: {  	_ =	shalt  }
0x5f: {  	_ =	shalt  }
0x60: {  	_ =	shalt  }
0x61: {  	_ =	shalt  }
0x62: {  	_ =	shalt  }
0x63: {  	_ =	shalt  }
0x64: {  	_ =	shalt  }
0x65: {  	_ =	shalt  }
0x66: {  	_ =	shalt  }
0x67: {  	_ =	shalt  }
0x68: {  	_ =	shalt  }
0x69: {  	_ =	shalt  }
0x6a: {  	_ =	shalt  }
0x6b: {  	_ =	shalt  }
0x6c: {  	_ =	shalt  }
0x6d: {  	_ =	shalt  }
0x6e: {  	_ =	shalt  }
0x6f: {  	_ =	shalt  }
0x70: {  	_ =	shalt  }
0x71: {  	_ =	shalt  }
0x72: {  	_ =	shalt  }
0x73: {  	_ =	shalt  }
0x74: {  	_ =	shalt  }
0x75: {  	_ =	shalt  }
0x76: {  	_ =	shalt  }
0x77: {  	_ =	shalt  }
0x78: {  	_ =	shalt  }
0x79: {  	_ =	shalt  }
0x7a: {  	_ =	shalt  }
0x7b: {  	_ =	shalt  }
0x7c: {  	_ =	shalt  }
0x7d: {  	_ =	shalt  }
0x7e: {  	_ =	shalt  }
0x7f: {  	_ =	shalt  }
0x80: {  	_ =	shalt  }
0x81: {  	_ =	shalt  }
0x82: {  	_ =	shalt  }
0x83: {  	_ =	shalt  }
0x84: {  	_ =	shalt  }
0x85: {  	_ =	shalt  }
0x86: {  	_ =	shalt  }
0x87: {  	_ =	shalt  }
.Lfunc_end0:
.L_simem_size_0:
called_computation_lowered:
.L_overlay_start_0:
0x88: {  	s2 =	sld [smem:$0x3FD9]  }
0x89: {  	s3 =	sld [smem:$0x3FFE];
	_ =	sdelay $0x1  }
0x8a: {  	s1 =	srdreg.scid  }
0x8b: {  	s0 =	sand.u32 $0x1, s1  }
0x8c: {  	s18 =	sshll.u32 s0, $0xA;
	s2 =	sadd.s32 s3, s2  }
0x8d: {  	s2 =	sadd.s32 s2, s18  }
0x8e: {  	[smem:$0x3FC7] =	sst s2  }
0x8f: {  	_ = 	snop  }
0x90: {  	s2 =	sld [smem:$0x3FC9]  }
0x91: {  	s19 =	sld [smem:$0x3FD0];
	(tm) =	ssettm $0x1  }
0x92: {  	s4 =	sld [smem:$0x3FFB];
	_ =	sdelay $0x3  }
0x93: {  	_ =	strace s4  }
0x94: {  	s4 =	sld [smem:$0x3FFC];
	_ =	sdelay $0x3  }
0x95: {  	_ =	strace s4  }
0x96: {  	s4 =	sld [smem:$0x3FFD];
	_ =	sdelay $0x3  }
0x97: {  	_ =	strace s4  }
0x98: {  	_ =	strace $0x8FFFFFFF  }
0x99: {  	s20 =	sld [smem:$0x3FDB];
	_ =	sdelay $0x1  }
0x9a: {  	s5 =	simm.s32 $_scs_section_size  }
0x9b: {  	s6 =	simm.s32 $_size__tile_overlayer_lowered;
	s7 =	simm.s32 $_tile_overlayer_lowered  }
0x9c: {  	s23 =	simm.s32 $0x1BFF;
	s22 =	sshll.u32 s7, $0x1;
	s4 =	sadd.s32 s5, s20  }
0x9d: {  	s8 =	simm.s32 $0x0;
	s21 =	sshll.u32 s6, $0x1;
	s6 =	sadd.s32 s22, s4  }
0x9e: {  	[timem:s8], [sflag:s23] =	dma.local [hbm:s6], s21  }
0x9f: {  	_ =	swait.ge [sflag:s23], s21  }
0xa0: {  	s5 =	ssub.s32 $0x0, s21;
	[sflag:s23] =	ssyncset.done $0x0  }
0xa1: {  	[sflag:s23] =	ssyncadd.s32 s5;
	_ =	sdelay $0x1  }
0xa2: {  	s24 =	simm.s32 $0x1B8B  }
0xa3: {  	_ =	swait.ge [sflag:s24], $0x1  }
0xa4: {  	[sflag:s24] =	ssyncset.done $0x0  }
0xa5: {  	s25 =	simm.s32 $0x1B8E;
	[sflag:s24] =	ssyncadd.s32 $0xFFFFFFFF  }
0xa6: {  	s26 =	simm.s32 $execute0_lowered;
	[smem:$0x3FD2] =	sst s25  }
0xa7: {  	s5 =	sshll.u32 s26, $0x1;
	_ =	strace $0x80000046;
	[dreg:$0x1] =	wrdreg $0xFFFFFFFF  }
0xa8: {  	s28 =	simm.s32 $_size_execute0_lowered;
	s4 =	sadd.s32 s4, s5;
	[dreg:$0x0] =	wrdreg $0x0  }
0xa9: {  	s5 =	sshll.u32 s28, $0x1;
	[dreg:$0x2] =	wrdreg s4  }
0xaa: {  	[dreg:$0x3] =	wrdreg s5  }
0xab: {  	[dreg:$0x4] =	wrdreg $0xC0  }
0xac: {  	_ =	task [dreg:s8], $0x5FFFF  }
0xad: {  	[dreg:$0x1] =	wrdreg $0xFFFFFFFF  }
0xae: {  	[dreg:$0x0] =	wrdreg $0x60  }
0xaf: {  	[dreg:$0x2] =	wrdreg s2  }
0xb0: {  	[dreg:$0x3] =	wrdreg s19  }
0xb1: {  	[dreg:$0x4] =	wrdreg $0x9  }
0xb2: {  	_ =	task.clear_ibuf [dreg:s8], $0x5FFFF;
	_ =	strace $0x90000046  }
0xb3: {  	s29 =	simm.s32 $0x9;
	_ =	strace $0x80000048  }
0xb4: {  	_ =	swait.ge [sflag:s29], $0x1  }
0xb5: {  	[sflag:s29] =	ssyncadd.s32 $0xFFFFFFFF  }
0xb6: {  	_ =	strace $0x90000048  }
0xb7: {  	_ =	sfence  }
0xb8: {  	s30 =	sld [smem:$0x0];
	_ =	sdelay $0x2  }
0xb9: {  	s31 =	sshll.u32 s1, $0xD;
	s1 =	sshrl.u32 s1, $0x2  }
0xba: {  	s3 =	sand.u32 $0x4000, s31;
	s1 =	sadd.s32 s1, s30  }
0xbb: {  	s0 =	sor.u32 s3, s0;
	s1 =	sshll.u32 s1, $0x11  }
0xbc: {  	s0 =	sor.u32 s1, s0  }
0xbd: {  	s0 =	sadd.s32 $0x8F2B, s0  }
0xbe: {  	[sflag:s0] =	ssyncadd.remote.s32 $0x1  }
0xbf: {  	_ =	sfence.sel $0xFFFF  }
0xc0: {  	[dreg:$0x0] =	wrdreg $0xFFFFFFFF;
	(pc) =	sbr.abs _section_cstart, $3  }
0xc1: {  	[dreg:$0x1] =	wrdreg $0xFFFFFFFF  }
0xc2: {  	_ =	task.clear_ibuf [dreg:s8], $0x2FFFF;
	_ =	strace $0x9FFFFFFF  }
0xc3: {  	(tm) =	ssettm $0x7FFFFFFF  }
tec
execute0_lowered:
.L_overlay_start_1:
0x0: {  	(tag) =	ssettag $0x1  }
0x1: {  	s2 =	rddreg [dreg:$0x0];
	s0 =	srdreg.scid  }
0x2: {  	s3 =	rddreg [dreg:$0x1];
	s1 =	stileid.u32;
	s5 =	simm.s32 $0x0  }
0x3: {  	s11 =	simm.s32 $0x200;
	s12 =	simm.s32 $0x400;
	s13 =	simm.s32 $0x4000  }
0x4: {  	s14 =	simm.s32 $0x1;
	s15 =	simm.s32 $0x8000;
	s16 =	simm.s32 $0x2  }
0x5: {  	s17 =	simm.s32 $0x4;
	s18 =	simm.s32 $0xC000;
	s19 =	simm.s32 $0x3  }
0x6: {  	s20 =	simm.s32 $0x0;
	s6 =	sand.u32 $0x1, s0;
	s0 =	rddreg [dreg:$0x2]  }
0x7: {  	s4 =	sshll.u32 s1, $0x12;
	s9 =	sshll.u32 s6, $0x9;
	s6 =	ssub.s32 $0x2, s6  }
0x8: {  	[smem:$0x7FF] =	sst s5;
	s7 =	sor.u32 s9, s4;
	s8 =	sshrl.u32 s6, $0x1  }
0x9: {  	_ =	strace $0x80000047;
	s7 =	sshrl.u32 s7, $0x3;
	s10 =	ssub.s32 s6, s8  }
0xa: {  	s8 =	sor.u32 $0x38000, s9;
	s31 =	sadd.s32 s7, s2;
	s7 =	sor.u32 $0x30000, s9  }
0xb: {  	v0 =	vimm.s32 $0xF;
	s9 =	sor.u32 $0x28000, s9;
	s10 =	smax.u32 s10, $0x1;
	s6 =	sadd.s32 $0x7000, s31  }
.LBB2_1:
0xc: {  	[tilespmem:s5], [sflag:$0x1] =	stream.strided.gather [hbm4b:s6+s11], $0x4000, s12, s11, $0x38;
	v5 =	vimm.f32 $0.0e+00;
	[tilespmem:$0x10000] =	vst v63  }
0xd: {  	v1 =	vimm.f32 $0.0e+00;
	v2 =	vimm.f32 $0.0e+00;
	v9 =	vimm.f32 $0.0e+00;
	s21 =	simm.s32 $0x0  }
.LBB2_2:
0xe: {  	s22 =	sshll.u32 s21, $0x10  }
0xf: {  	s23 =	ssub.s32 s4, s22  }
0x10: {  	s22 =	sadd.s32 s7, s23  }
0x11: {  	s22 =	sshrl.u32 s22, $0x3  }
0x12: {  	s24 =	sadd.s32 s2, s22  }
0x13: {  	[tilespmem:s13], [sflag:$0x2] =	stream.strided.gather [hbm4b:s24+s11], $0x4000, s12, s11, $0x38;
	[tilespmem:$0x10000] =	vst v63  }
0x14: {  	_ =	swait.ge [sflag:s14], $0x4000  }
0x15: {  	p0 =	seq.s32 s21, $0x0;
	[sflag:s14] =	ssyncset.done $0x0  }
0x16: {  	s24 =	simm.s32 @!p0 $0x3;
	[sflag:s14] =	ssyncadd.s32 $0xFFFFC000  }
0x17: {  	s25 =	simm.s32 $0xFF0;
	s26 =	simm.s32 $0x3FC0;
	_ =	swait.ge @!p0 [sflag:s24], $0x4000  }
0x18: {  	s25 =	sand.u32 $0x70, s25;
	s26 =	sand.u32 $0x3E00, s26;
	[sflag:s24] =	ssyncset.done @!p0 $0x0  }
0x19: {  	s26 =	sor.u32 s25, s26;
	[sflag:s24] =	ssyncadd.s32 @!p0 $0xFFFFC000  }
0x1a: {  	v8 =	vld [tilespmem:s26+$0x180];
	_ =	sdelay $0x2  }
0x1b: {  	v10 =	vld [tilespmem:s26+$0x0];
	_ =	sdelay $0x1  }
0x1c: {  	(xrf2) =	vadd.scan.msk.f32 $0xffff, v8  }
0x1d: {  	v13 =	vld [tilespmem:s26+$0x80];
	_ =	sdelay $0x1  }
0x1e: {  	(xrf2) =	vadd.scan.msk.f32 $0xffff, v10  }
0x1f: {  	s25 =	simm.s32 $0x3F80;
	s24 =	simm.s32 $0xFE0;
	v6 =	vld [tilespmem:s26+$0x100]  }
0x20: {  	s25 =	sand.u32 $0x3E00, s25;
	s24 =	sand.u32 $0x70, s24  }
0x21: {  	s24 =	sor.u32 s24, s25;
	(xrf2) =	vadd.scan.msk.f32 $0xffff, v13  }
0x22: {  	v3 =	vld [tilespmem:s24+$0x180];
	_ =	sdelay $0x1  }
0x23: {  	(xrf2) =	vadd.scan.msk.f32 $0xffff, v6  }
0x24: {  	v4 =	vld [tilespmem:s24+$0x0];
	v11, _, _ =	vpop (xrf2)  }
0x25: {  	v7 =	vperm.xlane v11, v0  }
0x26: {  	(xrf2) =	vadd.scan.msk.f32 $0xffff, v3  }
0x27: {  	v8 =	vsub.f32 v8, v11;
	v11, _, _ =	vpop (xrf2);
	v7 =	vadd.f32 v7, v5;
	v5 =	vld [tilespmem:s24+$0x80]  }
0x28: {  	v12 =	vperm.xlane v11, v0  }
0x29: {  	s29 =	simm.s32 $0xFD0;
	(xrf2) =	vadd.scan.msk.f32 $0xffff, v4;
	v14 =	vadd.f32 v8, v7;
	v8 =	vld [tilespmem:s24+$0x100]  }
0x2a: {  	s28 =	simm.s32 $0x3F40;
	s30 =	sand.u32 $0x70, s29;
	v11 =	vsub.f32 v10, v11;
	v10, _, _ =	vpop (xrf2);
	v9 =	vadd.f32 v12, v9  }
0x2b: {  	s31 =	sand.u32 $0x3E00, s28;
	s29 =	simm.s32 $0xFC0;
	s25 =	sadd.s32 s8, s23;
	v12 =	vperm.xlane v10, v0;
	v10 =	vsub.f32 v13, v10;
	[tilespmem:s26+$0x8180] =	vst v14  }
.LBB2_3:
0x2c: {  	p1 =	sne.s32 s29, $0x0;
	s30 =	sor.u32 s30, s31;
	(xrf2) =	vadd.scan.msk.f32 $0xffff, v5;
	v11 =	vadd.f32 v11, v9  }
0x2d: {  	v13 =	vld [tilespmem:s30+$0x180];
	v2 =	vadd.f32 v12, v2;
	v12, _, _ =	vpop (xrf2)  }
0x2e: {  	v14 =	vld [tilespmem:s30+$0x0];
	[tilespmem:s26+$0x8000] =	vst v11;
	v11 =	vperm.xlane v12, v0;
	v12 =	vsub.f32 v6, v12;
	v6 =	vmov v8  }
0x2f: {  	v15 =	vld [tilespmem:s30+$0x80];
	(xrf2) =	vadd.scan.msk.f32 $0xffff, v6;
	v10 =	vadd.f32 v10, v2  }
0x30: {  	v8 =	vld [tilespmem:s30+$0x100];
	v16, _, _ =	vpop (xrf2);
	v1 =	vadd.f32 v11, v1  }
0x31: {  	v17 =	vperm.xlane v16, v0;
	[tilespmem:s26+$0x8080] =	vst v10  }
0x32: {  	(xrf2) =	vadd.scan.msk.f32 $0xffff, v13;
	v10 =	vadd.f32 v12, v1  }
.Ltmp0:
0x33: {  	v12 =	vsub.f32 v3, v16;
	v3 =	vmov v13;
	v7 =	vadd.f32 v17, v7;
	v11, _, _ =	vpop (xrf2);
	(pc) =	sbr.rel @p1 .LBB2_3-.Ltmp0, $4  }
0x34: {  	v13 =	vperm.xlane v11, v0;
	v11 =	vsub.f32 v4, v11;
	[tilespmem:s26+$0x8100] =	vst v10;
	v4 =	vmov v14;
	s26 =	smov.u32 s24;
	s24 =	smov.u32 s30  }
0x35: {  	(xrf2) =	vadd.scan.msk.f32 $0xffff, v4;
	v14 =	vadd.f32 v12, v7  }
0x36: {  	s28 =	sadd.s32 $0xFFFFFFC0, s28;
	v9 =	vadd.f32 v13, v9;
	v10, _, _ =	vpop (xrf2)  }
0x37: {  	s31 =	sand.u32 $0x3E00, s28;
	s30 =	sand.u32 $0x70, s29;
	s29 =	sadd.s32 $0xFFFFFFF0, s29;
	v12 =	vperm.xlane v10, v0;
	v10 =	vsub.f32 v5, v10;
	[tilespmem:s26+$0x8180] =	vst v14;
	v5 =	vmov v15  }
0x38: {  	s28 =	sor.u32 s30, s31  }
0x39: {  	v11 =	vadd.f32 v11, v9;
	v13 =	vld [tilespmem:s28+$0x180]  }
0x3a: {  	(xrf2) =	vadd.scan.msk.f32 $0xffff, v5;
	v14 =	vld [tilespmem:s28+$0x0]  }
0x3b: {  	(xrf2) =	vadd.scan.msk.f32 $0xffff, v8;
	[tilespmem:s26+$0x8000] =	vst v11  }
0x3c: {  	v11 =	vld [tilespmem:s28+$0x80]  }
0x3d: {  	v15 =	vld [tilespmem:s28+$0x100]  }
0x3e: {  	(xrf2) =	vadd.scan.msk.f32 $0xffff, v13  }
0x3f: {  	v16, _, _ =	vpop (xrf2);
	(xrf2) =	vadd.scan.msk.f32 $0xffff, v14  }
0x40: {  	v17 =	vperm.xlane v16, v0  }
0x41: {  	v2 =	vadd.f32 v12, v2;
	v18, _, _ =	vpop (xrf2);
	(xrf2) =	vadd.scan.msk.f32 $0xffff, v11  }
0x42: {  	v6 =	vsub.f32 v6, v16;
	v1 =	vadd.f32 v17, v1;
	(xrf2) =	vadd.scan.msk.f32 $0xffff, v15  }
0x43: {  	v10 =	vadd.f32 v10, v2;
	v52 =	vperm.xlane v18, v0;
	v19, _, _ =	vpop (xrf2)  }
0x44: {  	v3 =	vsub.f32 v3, v18;
	v6 =	vadd.f32 v6, v1;
	v53 =	vperm.xlane v19, v0;
	v54, _, _ =	vpop (xrf2)  }
0x45: {  	v7 =	vadd.f32 v52, v7;
	v4 =	vsub.f32 v4, v19;
	v55, _, _ =	vpop (xrf2)  }
0x46: {  	v9 =	vadd.f32 v53, v9;
	v56 =	vperm.xlane v54, v0;
	v57 =	vperm.xlane v55, v0  }
0x47: {  	v5 =	vsub.f32 v5, v54;
	v8 =	vsub.f32 v8, v55  }
0x48: {  	v2 =	vadd.f32 v56, v2;
	v1 =	vadd.f32 v57, v1;
	v58, _, _ =	vpop (xrf2)  }
0x49: {  	v3 =	vadd.f32 v3, v7;
	v4 =	vadd.f32 v4, v9;
	v59 =	vperm.xlane v58, v0;
	v60, _, _ =	vpop (xrf2)  }
0x4a: {  	[tilespmem:s26+$0x8080] =	vst v10;
	v10 =	vadd.f32 v5, v2;
	v8 =	vadd.f32 v8, v1;
	v61 =	vperm.xlane v60, v0  }
0x4b: {  	[tilespmem:s26+$0x8100] =	vst v6;
	v6 =	vsub.f32 v13, v58;
	v5 =	vadd.f32 v59, v7;
	v7, _, _ =	vpop (xrf2)  }
0x4c: {  	[tilespmem:s24+$0x8180] =	vst v3;
	v3 =	vsub.f32 v14, v60;
	v9 =	vadd.f32 v61, v9;
	v62 =	vperm.xlane v7, v0;
	v63, _, _ =	vpop (xrf2)  }
0x4d: {  	[tilespmem:s24+$0x8000] =	vst v4;
	v4 =	vadd.f32 v6, v5;
	v6 =	vsub.f32 v11, v7;
	v7 =	vperm.xlane v63, v0  }
0x4e: {  	[tilespmem:s24+$0x8100] =	vst v8;
	v8 =	vsub.f32 v15, v63;
	v2 =	vadd.f32 v62, v2  }
0x4f: {  	p1 =	sne.s32 s21, $0x3;
	[tilespmem:s24+$0x8080] =	vst v10;
	v3 =	vadd.f32 v3, v9;
	v1 =	vadd.f32 v7, v1  }
.Ltmp1:
0x50: {  	[tilespmem:s28+$0x8180] =	vst v4;
	v4 =	vadd.f32 v6, v2;
	(pc) =	sbr.rel @p1 .LBB2_6-.Ltmp1, $4  }
0x51: {  	[tilespmem:s28+$0x8000] =	vst v3;
	v3 =	vadd.f32 v8, v1  }
0x52: {  	s31 =	sshrl.u32 s25, $0x3;
	[tilespmem:s28+$0x8080] =	vst v4  }
0x53: {  	s24 =	sadd.s32 s3, s31;
	[tilespmem:s28+$0x8100] =	vst v3  }
0x54: {  	[hbm4b:s24+s11] =	stream.strided.scatter [tilespmem:s15], [sflag:$0x3], $0x4000, s12, s11, $0x38;
	[tilespmem:$0x10000] =	vst v63  }
.Ltmp2:
0x55: {  	(pc) =	sbr.rel .LBB2_7-.Ltmp2, $4  }
0x56: {  	_ = 	snop  }
0x57: {  	_ =	swait.ge [sflag:s16], $0x4000  }
0x58: {  	[sflag:s16] =	ssyncset.done $0x0  }
0x59: {  	[sflag:s16] =	ssyncadd.s32 $0xFFFFC000  }
.LBB2_6:
0x5a: {  	s23 =	sadd.s32 s9, s23  }
0x5b: {  	s23 =	sshrl.u32 s23, $0x3  }
.Ltmp3:
0x5c: {  	s23 =	sadd.s32 s2, s23;
	(pc) =	sbr.rel @p0 .LBB2_8-.Ltmp3, $4  }
0x5d: {  	[tilespmem:s5], [sflag:$0x1] =	stream.strided.gather [hbm4b:s23+s11], $0x4000, s12, s11, $0x38;
	[tilespmem:$0x10000] =	vst v63  }
0x5e: {  	_ =	swait.ge [sflag:s16], $0x4000  }
0x5f: {  	[sflag:s16] =	ssyncset.done $0x0  }
0x60: {  	[sflag:s16] =	ssyncadd.s32 $0xFFFFC000  }
.LBB2_7:
0x61: {  	_ =	swait.ge [sflag:s17], $0x4000  }
0x62: {  	[sflag:s17] =	ssyncset.done $0x0  }
0x63: {  	[sflag:s17] =	ssyncadd.s32 $0xFFFFC000  }
.LBB2_8:
0x64: {  	s23 =	simm.s32 $0xFF0;
	s24 =	simm.s32 $0x3FC0  }
0x65: {  	s23 =	sand.u32 $0x70, s23;
	s24 =	sand.u32 $0x3E00, s24  }
0x66: {  	s24 =	sor.u32 s23, s24  }
0x67: {  	v8 =	vld [tilespmem:s24+$0x4180];
	_ =	sdelay $0x2  }
0x68: {  	v10 =	vld [tilespmem:s24+$0x4000];
	_ =	sdelay $0x1  }
0x69: {  	(xrf2) =	vadd.scan.msk.f32 $0xffff, v8  }
0x6a: {  	v13 =	vld [tilespmem:s24+$0x4080];
	_ =	sdelay $0x1  }
0x6b: {  	(xrf2) =	vadd.scan.msk.f32 $0xffff, v10  }
0x6c: {  	s31 =	simm.s32 $0xFE0;
	s25 =	simm.s32 $0x3F80;
	v6 =	vld [tilespmem:s24+$0x4100]  }
0x6d: {  	s25 =	sand.u32 $0x3E00, s25;
	s23 =	sand.u32 $0x70, s31  }
0x6e: {  	s23 =	sor.u32 s23, s25;
	(xrf2) =	vadd.scan.msk.f32 $0xffff, v13  }
0x6f: {  	v3 =	vld [tilespmem:s23+$0x4180];
	_ =	sdelay $0x1  }
0x70: {  	(xrf2) =	vadd.scan.msk.f32 $0xffff, v6  }
0x71: {  	v4 =	vld [tilespmem:s23+$0x4000];
	v11, _, _ =	vpop (xrf2)  }
0x72: {  	v7 =	vperm.xlane v11, v0  }
0x73: {  	(xrf2) =	vadd.scan.msk.f32 $0xffff, v3  }
0x74: {  	v8 =	vsub.f32 v8, v11;
	v11, _, _ =	vpop (xrf2);
	v7 =	vadd.f32 v7, v5;
	v5 =	vld [tilespmem:s23+$0x4080]  }
0x75: {  	v12 =	vperm.xlane v11, v0  }
0x76: {  	(xrf2) =	vadd.scan.msk.f32 $0xffff, v4;
	v14 =	vadd.f32 v8, v7;
	v8 =	vld [tilespmem:s23+$0x4100]  }
0x77: {  	s26 =	simm.s32 $0xFD0;
	s25 =	simm.s32 $0x3F40;
	v11 =	vsub.f32 v10, v11;
	v10, _, _ =	vpop (xrf2);
	v9 =	vadd.f32 v12, v9  }
0x78: {  	s28 =	sand.u32 $0x70, s26;
	s26 =	simm.s32 $0xFC0;
	s29 =	sand.u32 $0x3E00, s25;
	v12 =	vperm.xlane v10, v0;
	v10 =	vsub.f32 v13, v10;
	[tilespmem:s24+$0xC180] =	vst v14  }
.LBB2_9:
0x79: {  	p0 =	sne.s32 s26, $0x0;
	s28 =	sor.u32 s28, s29;
	(xrf2) =	vadd.scan.msk.f32 $0xffff, v5;
	v11 =	vadd.f32 v11, v9  }
0x7a: {  	v13 =	vld [tilespmem:s28+$0x4180];
	v2 =	vadd.f32 v12, v2;
	v12, _, _ =	vpop (xrf2)  }
0x7b: {  	v14 =	vld [tilespmem:s28+$0x4000];
	[tilespmem:s24+$0xC000] =	vst v11;
	v11 =	vperm.xlane v12, v0;
	v12 =	vsub.f32 v6, v12;
	v6 =	vmov v8  }
0x7c: {  	v15 =	vld [tilespmem:s28+$0x4080];
	(xrf2) =	vadd.scan.msk.f32 $0xffff, v6;
	v10 =	vadd.f32 v10, v2  }
0x7d: {  	v8 =	vld [tilespmem:s28+$0x4100];
	v16, _, _ =	vpop (xrf2);
	v1 =	vadd.f32 v11, v1  }
0x7e: {  	v17 =	vperm.xlane v16, v0;
	[tilespmem:s24+$0xC080] =	vst v10  }
0x7f: {  	(xrf2) =	vadd.scan.msk.f32 $0xffff, v13;
	v10 =	vadd.f32 v12, v1  }
.Ltmp4:
0x80: {  	v12 =	vsub.f32 v3, v16;
	v3 =	vmov v13;
	v7 =	vadd.f32 v17, v7;
	v11, _, _ =	vpop (xrf2);
	(pc) =	sbr.rel @p0 .LBB2_9-.Ltmp4, $4  }
0x81: {  	v13 =	vperm.xlane v11, v0;
	v11 =	vsub.f32 v4, v11;
	[tilespmem:s24+$0xC100] =	vst v10;
	v4 =	vmov v14;
	s24 =	smov.u32 s23;
	s23 =	smov.u32 s28  }
0x82: {  	(xrf2) =	vadd.scan.msk.f32 $0xffff, v4;
	v14 =	vadd.f32 v12, v7  }
0x83: {  	s25 =	sadd.s32 $0xFFFFFFC0, s25;
	v9 =	vadd.f32 v13, v9;
	v10, _, _ =	vpop (xrf2)  }
0x84: {  	s29 =	sand.u32 $0x3E00, s25;
	s28 =	sand.u32 $0x70, s26;
	s26 =	sadd.s32 $0xFFFFFFF0, s26;
	v12 =	vperm.xlane v10, v0;
	v10 =	vsub.f32 v5, v10;
	[tilespmem:s24+$0xC180] =	vst v14;
	v5 =	vmov v15  }
0x85: {  	s25 =	sor.u32 s28, s29  }
0x86: {  	v11 =	vadd.f32 v11, v9;
	v13 =	vld [tilespmem:s25+$0x4180]  }
0x87: {  	(xrf2) =	vadd.scan.msk.f32 $0xffff, v5;
	v14 =	vld [tilespmem:s25+$0x4000]  }
0x88: {  	(xrf2) =	vadd.scan.msk.f32 $0xffff, v8;
	[tilespmem:s24+$0xC000] =	vst v11  }
0x89: {  	v11 =	vld [tilespmem:s25+$0x4080]  }
0x8a: {  	v15 =	vld [tilespmem:s25+$0x4100]  }
0x8b: {  	(xrf2) =	vadd.scan.msk.f32 $0xffff, v13  }
0x8c: {  	v16, _, _ =	vpop (xrf2);
	(xrf2) =	vadd.scan.msk.f32 $0xffff, v14  }
0x8d: {  	v17 =	vperm.xlane v16, v0  }
0x8e: {  	v2 =	vadd.f32 v12, v2;
	v18, _, _ =	vpop (xrf2);
	(xrf2) =	vadd.scan.msk.f32 $0xffff, v11  }
0x8f: {  	v6 =	vsub.f32 v6, v16;
	v1 =	vadd.f32 v17, v1;
	(xrf2) =	vadd.scan.msk.f32 $0xffff, v15  }
0x90: {  	v10 =	vadd.f32 v10, v2;
	v52 =	vperm.xlane v18, v0;
	v19, _, _ =	vpop (xrf2)  }
0x91: {  	v3 =	vsub.f32 v3, v18;
	v6 =	vadd.f32 v6, v1;
	v53 =	vperm.xlane v19, v0;
	v54, _, _ =	vpop (xrf2)  }
0x92: {  	v7 =	vadd.f32 v52, v7;
	v4 =	vsub.f32 v4, v19;
	v55, _, _ =	vpop (xrf2)  }
0x93: {  	v9 =	vadd.f32 v53, v9;
	v56 =	vperm.xlane v54, v0;
	v57 =	vperm.xlane v55, v0  }
0x94: {  	v5 =	vsub.f32 v5, v54;
	v8 =	vsub.f32 v8, v55  }
0x95: {  	v2 =	vadd.f32 v56, v2;
	v1 =	vadd.f32 v57, v1;
	v58, _, _ =	vpop (xrf2)  }
0x96: {  	v3 =	vadd.f32 v3, v7;
	v4 =	vadd.f32 v4, v9;
	v59 =	vperm.xlane v58, v0;
	v60, _, _ =	vpop (xrf2)  }
0x97: {  	[tilespmem:s24+$0xC080] =	vst v10;
	v10 =	vadd.f32 v5, v2;
	v8 =	vadd.f32 v8, v1;
	v61 =	vperm.xlane v60, v0  }
0x98: {  	[tilespmem:s24+$0xC100] =	vst v6;
	v6 =	vsub.f32 v13, v58;
	v5 =	vadd.f32 v59, v7;
	v7, _, _ =	vpop (xrf2)  }
0x99: {  	[tilespmem:s23+$0xC180] =	vst v3;
	v3 =	vsub.f32 v14, v60;
	v9 =	vadd.f32 v61, v9;
	v62 =	vperm.xlane v7, v0;
	v63, _, _ =	vpop (xrf2)  }
0x9a: {  	[tilespmem:s23+$0xC000] =	vst v4;
	v4 =	vadd.f32 v6, v5;
	v6 =	vsub.f32 v11, v7;
	v7 =	vperm.xlane v63, v0  }
0x9b: {  	s21 =	sadd.s32 $0x1, s21;
	[tilespmem:s23+$0xC100] =	vst v8;
	v8 =	vsub.f32 v15, v63;
	v2 =	vadd.f32 v62, v2  }
0x9c: {  	p0 =	sne.s32 s21, $0x4;
	[tilespmem:s23+$0xC080] =	vst v10;
	v3 =	vadd.f32 v3, v9;
	v1 =	vadd.f32 v7, v1  }
.Ltmp5:
0x9d: {  	[tilespmem:s25+$0xC180] =	vst v4;
	v4 =	vadd.f32 v6, v2;
	(pc) =	sbr.rel @p0 .LBB2_2-.Ltmp5, $4  }
0x9e: {  	[tilespmem:s25+$0xC000] =	vst v3;
	v3 =	vadd.f32 v8, v1  }
0x9f: {  	[tilespmem:s25+$0xC080] =	vst v4  }
0xa0: {  	s22 =	sadd.s32 s3, s22;
	[tilespmem:s25+$0xC100] =	vst v3  }
0xa1: {  	[hbm4b:s22+s11] =	stream.strided.scatter [tilespmem:s18], [sflag:$0x4], $0x4000, s12, s11, $0x38;
	[tilespmem:$0x10000] =	vst v63  }
0xa2: {  	s20 =	sadd.s32 $0x1, s20  }
0xa3: {  	_ =	swait.ge [sflag:s19], $0x4000;
	p0 =	sne.s32 s20, s10  }
.Ltmp6:
0xa4: {  	[sflag:s19] =	ssyncset.done $0x0;
	(pc) =	sbr.rel @p0 .LBB2_1-.Ltmp6, $4  }
0xa5: {  	[sflag:s19] =	ssyncadd.s32 $0xFFFFC000  }
0xa6: {  	_ =	swait.ge [sflag:s17], $0x4000  }
0xa7: {  	[sflag:s17] =	ssyncset.done $0x0  }
0xa8: {  	[sflag:s17] =	ssyncadd.s32 $0xFFFFC000  }
0xa9: {  	_ =	sfence.sel $0x180000  }
0xaa: {  	[bflag:$0x0] =	sbarrier.arrive $0xFFFF  }
0xab: {  	p0 =	sne.s32 s1, $0x0;
	_ =	strace $0x90000047  }
0xac: {  	s0 =	sadd.s32 @!p0 $0x100000, s0;
	[bflag:$0x2] =	sbarrier.arrive $0xFFFF  }
0xad: {  	[sflag:s0] =	ssyncadd.tile.s32 @!p0 $0x1;
	_ =	shalt  }
.Lfunc_end2:
_tile_overlayer_lowered:
.L_overlay_start_2:
0xae: {  	(tag) =	ssettag $0x2  }
0xaf: {  	s0 =	rddreg [dreg:$0x0];
	s2 =	stileid.u32  }
0xb0: {  	s1 =	rddreg [dreg:$0x1];
	p0 =	sne.s32 s2, $0x0  }
0xb1: {  	s3 =	rddreg [dreg:$0x2];
	[bflag:$0x3] =	sbarrier.arrive $0xFFFF;
	s2 =	simm.s32 @!p0 $0x1C05  }
0xb2: {  	[timem:s3], [sflag:s2] =	dma.local @!p0 [hbm:s0], s1  }
0xb3: {  	s0 =	simm.s32 @!p0 $0x5  }
0xb4: {  	_ =	swait.ge @!p0 [sflag:s0], s1  }
0xb5: {  	s1 =	ssub.s32 @!p0 $0x0, s1;
	[sflag:s0] =	ssyncset.done @!p0 $0x0  }
0xb6: {  	[sflag:s0] =	ssyncadd.s32 @!p0 s1  }
0xb7: {  	[bflag:$0x3] =	sbarrier.arrive $0xFFFF  }
0xb8: {  	_ =	shalt  }

</sc_bundles>
